<compile_context>
chip_gen: v7x
topology: tpu7x:2x2x1
jax: 0.10.2.dev20260603
libtpu: 0.0.44.dev20260713+nightly
codegen_flags: <defaults>
</compile_context>

<pallas_src>
import functools

import jax
import jax.numpy as jnp
from jax import lax
from jax.experimental import pallas as pl
from jax.experimental.pallas import tpu as pltpu
from jax.experimental.pallas import tpu_sc as plsc

C = 128
CP = C // 2
E = 160000
NUM_WORKERS = 32
GATHER_CHUNK = 400
TC_BLOCK = 3200


def _sc_gather(table, idx_flat):
    n_rows = idx_flat.shape[0]
    per_w = n_rows // NUM_WORKERS
    n_pairs = per_w // (2 * GATHER_CHUNK)
    mesh = plsc.VectorSubcoreMesh(core_axis_name="c", subcore_axis_name="s")

    @functools.partial(
        pl.kernel,
        mesh=mesh,
        out_type=jax.ShapeDtypeStruct((n_rows, CP), jnp.int32),
        compiler_params=pltpu.CompilerParams(use_tc_tiling_on_sc=False),
        scratch_types=[
            pltpu.VMEM((per_w,), jnp.int32),
            pltpu.VMEM((GATHER_CHUNK, CP), jnp.int32),
            pltpu.VMEM((GATHER_CHUNK, CP), jnp.int32),
            pltpu.SemaphoreType.DMA,
            pltpu.SemaphoreType.DMA,
        ],
    )
    def gather_kernel(table_hbm, idx_hbm, out_hbm, idx_v, buf_a, buf_b, sem_a, sem_b):
        wid = lax.axis_index("s") * 2 + lax.axis_index("c")
        base = wid * per_w
        pltpu.sync_copy(idx_hbm.at[pl.ds(base, per_w)], idx_v)

        def body(g, carry):
            off_a = g * (2 * GATHER_CHUNK)
            off_b = off_a + GATHER_CHUNK
            cp_a = pltpu.async_copy(
                table_hbm.at[idx_v.at[pl.ds(off_a, GATHER_CHUNK)]], buf_a, sem_a
            )
            cp_b = pltpu.async_copy(
                table_hbm.at[idx_v.at[pl.ds(off_b, GATHER_CHUNK)]], buf_b, sem_b
            )
            cp_a.wait()
            pltpu.sync_copy(buf_a, out_hbm.at[pl.ds(base + off_a, GATHER_CHUNK)])
            cp_b.wait()
            pltpu.sync_copy(buf_b, out_hbm.at[pl.ds(base + off_b, GATHER_CHUNK)])
            return carry

        lax.fori_loop(0, n_pairs, body, 0)

    return gather_kernel(table, idx_flat)


def _conv_pass(x0_src, nb, wstack):
    n_blocks = E // TC_BLOCK
    dn = (((1,), (1,)), ((), ()))

    def body(x0_ref, nb_ref, w_ref, y_ref, s1_ref, s2_ref):
        i = pl.program_id(0)
        x0 = x0_ref[...]
        a0 = nb_ref[0]
        a1 = nb_ref[1]
        a2 = nb_ref[2]
        a3 = nb_ref[3]
        feats = (x0, a0 + a2, a1 + a3, jnp.abs(a0 - a2), jnp.abs(a1 - a3))
        y = jnp.zeros((C, TC_BLOCK), jnp.float32)
        for w_idx, f in enumerate(feats):
            y = y + jax.lax.dot_general(
                w_ref[w_idx], f, dn, preferred_element_type=jnp.float32
            )
        y_ref[...] = y.astype(jnp.bfloat16)

        @pl.when(i == 0)
        def _():
            s1_ref[...] = jnp.zeros_like(s1_ref)
            s2_ref[...] = jnp.zeros_like(s2_ref)

        s1_ref[...] += jnp.sum(y, axis=1, keepdims=True)
        s2_ref[...] += jnp.sum(y * y, axis=1, keepdims=True)

    return pl.pallas_call(
        body,
        grid=(n_blocks,),
        in_specs=[
            pl.BlockSpec((TC_BLOCK, C), lambda i: (i, 0)),
            pl.BlockSpec((4, TC_BLOCK, C), lambda i: (0, i, 0)),
            pl.BlockSpec((5, C, C), lambda i: (0, 0, 0)),
        ],
        out_specs=[
            pl.BlockSpec((C, TC_BLOCK), lambda i: (0, i)),
            pl.BlockSpec((C, 1), lambda i: (0, 0)),
            pl.BlockSpec((C, 1), lambda i: (0, 0)),
        ],
        out_shape=[
            jax.ShapeDtypeStruct((C, E), jnp.bfloat16),
            jax.ShapeDtypeStruct((C, 1), jnp.float32),
            jax.ShapeDtypeStruct((C, 1), jnp.float32),
        ],
    )(x0_src, nb, wstack)


def _norm_pass(y, s1, s2):
    n_blocks = E // TC_BLOCK
    inv_e = 1.0 / E

    def body(y_ref, s1_ref, s2_ref, o_ref):
        mean = s1_ref[...] * inv_e
        var = s2_ref[...] * inv_e - mean * mean
        inv = lax.rsqrt(var + 1e-5)
        o_ref[...] = jnp.maximum((y_ref[...].astype(jnp.float32) - mean) * inv, 0.0)

    return pl.pallas_call(
        body,
        grid=(n_blocks,),
        in_specs=[
            pl.BlockSpec((C, TC_BLOCK), lambda i: (0, i)),
            pl.BlockSpec((C, 1), lambda i: (0, 0)),
            pl.BlockSpec((C, 1), lambda i: (0, 0)),
        ],
        out_specs=pl.BlockSpec((C, TC_BLOCK), lambda i: (0, i)),
        out_shape=jax.ShapeDtypeStruct((C, E), jnp.float32),
    )(y, s1, s2)


def kernel(fe, edge_index, W, b):
    del b
    table_bf = fe[0].astype(jnp.bfloat16).T
    table_i32 = lax.bitcast_convert_type(
        table_bf.reshape(E, CP, 2), jnp.int32
    )
    idx_flat = edge_index[0].T.reshape(-1)
    nb_i32 = _sc_gather(table_i32, idx_flat)
    nb_bf = lax.bitcast_convert_type(nb_i32, jnp.bfloat16).reshape(4, E, C)
    wstack = jnp.moveaxis(W[:, :, 0, :], -1, 0).astype(jnp.bfloat16)
    y, s1, s2 = _conv_pass(table_bf, nb_bf, wstack)
    out = _norm_pass(y, s1, s2)
    return out[None]

# --- scband reference (transcript-rebuilt; emitter-appended) ---
"""Pipeline reference for scband-mesh-down-conv-49383533969436 (READ-ONLY COPY).

The authoritative reference and input builder live on the scoring server;
editing this copy changes nothing except your own understanding.
"""

import jax, jax.numpy as jnp
import numpy as np

B, C, E = 1, 128, 160000

def setup_inputs(seed: int = 0) -> dict:
    key = jax.random.key(seed)
    k1, k2, k3, k4 = jax.random.split(key, 4)
    fe = jax.random.normal(k1, (B, C, E), dtype=jnp.float32)
    edge_index = jax.random.randint(k2, (B, E, 4), 0, E, dtype=jnp.int32)
    W = jax.random.normal(k3, (C, C, 1, 5), dtype=jnp.float32) * (1.0 / np.sqrt(C * 5))
    b = jax.random.normal(k4, (C,), dtype=jnp.float32) * 0.01
    return {"fe": fe, "edge_index": edge_index, "W": W, "b": b}

def _mesh_conv(fe, edge_index, W, b):
    # fe: [B, C, E] edge features; edge_index: [B, E, 4] GeMM neighbor edge ids
    nb = jax.vmap(lambda f, ei: jnp.take(f, ei, axis=1))(fe, edge_index)  # [B, C, E, 4]
    x0 = fe
    f1 = nb[..., 0] + nb[..., 2]
    f2 = nb[..., 1] + nb[..., 3]
    f3 = jnp.abs(nb[..., 0] - nb[..., 2])
    f4 = jnp.abs(nb[..., 1] - nb[..., 3])
    G = jnp.stack([x0, f1, f2, f3, f4], axis=-1)  # [B, C, E, 5] symmetric neighborhood features
    out = jnp.einsum('bcek,ock->boe', G, W[:, :, 0, :]) + b[None, :, None]  # Conv2d kernel (1,5)
    return out[..., None]  # [B, out_c, E, 1]

def _instance_norm(x, eps=1e-5):
    # InstanceNorm2d, affine=False: normalize per (batch, channel) over spatial dims (E, 1)
    mean = jnp.mean(x, axis=(2, 3), keepdims=True)
    var = jnp.var(x, axis=(2, 3), keepdims=True)
    return (x - mean) / jnp.sqrt(var + eps)

def reference(fe, edge_index, W, b):
    x1 = _mesh_conv(fe, edge_index, W, b)
    x1 = _instance_norm(x1)
    x1 = jax.nn.relu(x1)
    x2 = x1[..., 0]  # squeeze(3)
    # blocks=0 -> no residual conv2 stack; pool=0 -> before_pool is None, meshes passed through
    return x2

if __name__ == "__main__":
    import jax
    _d = setup_inputs()
    print(jax.jit(kernel)(*tuple(_d.values())))

</pallas_src>

<mosaic_0001>
#map = affine_map<(d0, d1) -> (0, 0)>
#map1 = affine_map<(d0, d1) -> (0)>
module attributes {stable_mosaic.version = 14 : i64} {
  func.func @gather_kernel(%arg0: i32, %arg1: i32, %arg2: memref<160000x64xi32, #tpu.memory_space<hbm>>, %arg3: memref<640000xi32, #tpu.memory_space<hbm>>, %arg4: memref<640000x64xi32, #tpu.memory_space<hbm>>, %arg5: memref<20000xi32, #tpu.memory_space<vmem>>, %arg6: memref<400x64xi32, #tpu.memory_space<vmem>>, %arg7: memref<400x64xi32, #tpu.memory_space<vmem>>, %arg8: memref<!tpu.dma_semaphore, #tpu.memory_space<semaphore_mem>>, %arg9: memref<!tpu.dma_semaphore, #tpu.memory_space<semaphore_mem>>) attributes {dimension_semantics = [#tpu.dimension_semantics<core_parallel>, #tpu.dimension_semantics<subcore_parallel>], iteration_bounds = array<i64: 2, 16>, scalar_prefetch = 0 : i64, scratch_operands = 5 : i64, tpu.core_type = #tpu.core_type<sc_vector_subcore>, window_params = [{transform_indices = #map}, {transform_indices = #map1}, {transform_indices = #map}]} {
    %mul3A = arith.constant 2 : i32
    %mul3A_0 = arith.muli %arg1, %mul3A : i32
    %add3A = arith.addi %mul3A_0, %arg0 : i32
    %mul3A_1 = arith.constant 20000 : i32
    %mul3A_2 = arith.muli %add3A, %mul3A_1 : i32
    "tpu.region"() ({
      %run_scoped3A = tpu.sem_alloc : memref<!tpu.dma_semaphore, #tpu.memory_space<semaphore_mem>>
      %dma_start3A = tpu.memref_slice %arg3[%mul3A_2] : memref<640000xi32, #tpu.memory_space<hbm>> -> memref<20000xi32, #tpu.memory_space<hbm>>
      %dma_start3A_8 = tpu.memref_slice %arg3[%mul3A_2] : memref<640000xi32, #tpu.memory_space<hbm>> -> memref<20000xi32, #tpu.memory_space<hbm>>
      tpu.enqueue_dma source(%dma_start3A_8 : memref<20000xi32, #tpu.memory_space<hbm>>) target(%arg5 : memref<20000xi32, #tpu.memory_space<vmem>>) target_semaphore(%run_scoped3A : memref<!tpu.dma_semaphore, #tpu.memory_space<semaphore_mem>>)
      %dma_wait3A = tpu.memref_slice %arg3[%mul3A_2] : memref<640000xi32, #tpu.memory_space<hbm>> -> memref<20000xi32, #tpu.memory_space<hbm>>
      %dma_wait3A_9 = tpu.memref_slice %arg3[%mul3A_2] : memref<640000xi32, #tpu.memory_space<hbm>> -> memref<20000xi32, #tpu.memory_space<hbm>>
      tpu.wait_dma2 semaphore(%run_scoped3A : memref<!tpu.dma_semaphore, #tpu.memory_space<semaphore_mem>>) src(%dma_wait3A_9 : memref<20000xi32, #tpu.memory_space<hbm>>) dst(%arg5 : memref<20000xi32, #tpu.memory_space<vmem>>)
      tpu.yield
    }) : () -> ()
    %scan3A = arith.constant 0 : i32
    %scan3A_3 = arith.constant 0 : i32
    %scan3A_4 = arith.constant 25 : i32
    %scan3A_5 = arith.addi %scan3A_3, %scan3A_4 : i32
    %scan3A_6 = arith.constant 1 : i32
    scf.for %scan3A_8 = %scan3A_3 to %scan3A_5 step %scan3A_6  : i32 {
      %mul3A_9 = arith.constant 800 : i32
      %mul3A_10 = arith.muli %scan3A_8, %mul3A_9 : i32
      %add3A_11 = arith.constant 400 : i32
      %add3A_12 = arith.addi %mul3A_10, %add3A_11 : i32
      %dma_start3A = tpu.memref_slice %arg5[%mul3A_10] : memref<20000xi32, #tpu.memory_space<vmem>> -> memref<400xi32, #tpu.memory_space<vmem>>
      %dma_start3A_13 = arith.constant 0 : i32
      %dma_start3A_14 = arith.constant 0 : i32
      %dma_start3A_15 = tpu.memref_slice %arg2[%dma_start3A_13, %dma_start3A_14] : memref<160000x64xi32, #tpu.memory_space<hbm>> -> memref<160000x64xi32, #tpu.memory_space<hbm>>
      tpu.enqueue_indirect_dma source(%dma_start3A_15 : memref<160000x64xi32, #tpu.memory_space<hbm>>) target(%arg6 : memref<400x64xi32, #tpu.memory_space<vmem>>) offsets(%dma_start3A : memref<400xi32, #tpu.memory_space<vmem>>) semaphore(%arg8 : memref<!tpu.dma_semaphore, #tpu.memory_space<semaphore_mem>>)
      %dma_start3A_16 = tpu.memref_slice %arg5[%add3A_12] : memref<20000xi32, #tpu.memory_space<vmem>> -> memref<400xi32, #tpu.memory_space<vmem>>
      %dma_start3A_17 = arith.constant 0 : i32
      %dma_start3A_18 = arith.constant 0 : i32
      %dma_start3A_19 = tpu.memref_slice %arg2[%dma_start3A_17, %dma_start3A_18] : memref<160000x64xi32, #tpu.memory_space<hbm>> -> memref<160000x64xi32, #tpu.memory_space<hbm>>
      tpu.enqueue_indirect_dma source(%dma_start3A_19 : memref<160000x64xi32, #tpu.memory_space<hbm>>) target(%arg7 : memref<400x64xi32, #tpu.memory_space<vmem>>) offsets(%dma_start3A_16 : memref<400xi32, #tpu.memory_space<vmem>>) semaphore(%arg9 : memref<!tpu.dma_semaphore, #tpu.memory_space<semaphore_mem>>)
      %dma_wait3A = tpu.memref_slice %arg5[%mul3A_10] : memref<20000xi32, #tpu.memory_space<vmem>> -> memref<400xi32, #tpu.memory_space<vmem>>
      %dma_wait3A_20 = arith.constant 0 : i32
      %dma_wait3A_21 = arith.constant 0 : i32
      %dma_wait3A_22 = tpu.memref_slice %arg2[%dma_wait3A_20, %dma_wait3A_21] : memref<160000x64xi32, #tpu.memory_space<hbm>> -> memref<160000x64xi32, #tpu.memory_space<hbm>>
      tpu.wait_indirect_dma semaphore(%arg8 : memref<!tpu.dma_semaphore, #tpu.memory_space<semaphore_mem>>) src(%dma_wait3A_22 : memref<160000x64xi32, #tpu.memory_space<hbm>>) dst(%arg6 : memref<400x64xi32, #tpu.memory_space<vmem>>)
      %add3A_23 = arith.addi %mul3A_2, %mul3A_10 : i32
      "tpu.region"() ({
        %run_scoped3A = tpu.sem_alloc : memref<!tpu.dma_semaphore, #tpu.memory_space<semaphore_mem>>
        %dma_start3A_29 = arith.constant 0 : i32
        %dma_start3A_30 = tpu.memref_slice %arg4[%add3A_23, %dma_start3A_29] : memref<640000x64xi32, #tpu.memory_space<hbm>> -> memref<400x64xi32, #tpu.memory_space<hbm>>
        %dma_start3A_31 = arith.constant 0 : i32
        %dma_start3A_32 = tpu.memref_slice %arg4[%add3A_23, %dma_start3A_31] : memref<640000x64xi32, #tpu.memory_space<hbm>> -> memref<400x64xi32, #tpu.memory_space<hbm>>
        tpu.enqueue_dma source(%arg6 : memref<400x64xi32, #tpu.memory_space<vmem>>) target(%dma_start3A_32 : memref<400x64xi32, #tpu.memory_space<hbm>>) target_semaphore(%run_scoped3A : memref<!tpu.dma_semaphore, #tpu.memory_space<semaphore_mem>>)
        %dma_wait3A_33 = arith.constant 0 : i32
        %dma_wait3A_34 = tpu.memref_slice %arg4[%add3A_23, %dma_wait3A_33] : memref<640000x64xi32, #tpu.memory_space<hbm>> -> memref<400x64xi32, #tpu.memory_space<hbm>>
        %dma_wait3A_35 = arith.constant 0 : i32
        %dma_wait3A_36 = tpu.memref_slice %arg4[%add3A_23, %dma_wait3A_35] : memref<640000x64xi32, #tpu.memory_space<hbm>> -> memref<400x64xi32, #tpu.memory_space<hbm>>
        tpu.wait_dma2 semaphore(%run_scoped3A : memref<!tpu.dma_semaphore, #tpu.memory_space<semaphore_mem>>) src(%arg6 : memref<400x64xi32, #tpu.memory_space<vmem>>) dst(%dma_wait3A_36 : memref<400x64xi32, #tpu.memory_space<hbm>>)
        tpu.yield
      }) : () -> ()
      %dma_wait3A_24 = tpu.memref_slice %arg5[%add3A_12] : memref<20000xi32, #tpu.memory_space<vmem>> -> memref<400xi32, #tpu.memory_space<vmem>>
      %dma_wait3A_25 = arith.constant 0 : i32
      %dma_wait3A_26 = arith.constant 0 : i32
      %dma_wait3A_27 = tpu.memref_slice %arg2[%dma_wait3A_25, %dma_wait3A_26] : memref<160000x64xi32, #tpu.memory_space<hbm>> -> memref<160000x64xi32, #tpu.memory_space<hbm>>
      tpu.wait_indirect_dma semaphore(%arg9 : memref<!tpu.dma_semaphore, #tpu.memory_space<semaphore_mem>>) src(%dma_wait3A_27 : memref<160000x64xi32, #tpu.memory_space<hbm>>) dst(%arg7 : memref<400x64xi32, #tpu.memory_space<vmem>>)
      %add3A_28 = arith.addi %mul3A_2, %add3A_12 : i32
      "tpu.region"() ({
        %run_scoped3A = tpu.sem_alloc : memref<!tpu.dma_semaphore, #tpu.memory_space<semaphore_mem>>
        %dma_start3A_29 = arith.constant 0 : i32
        %dma_start3A_30 = tpu.memref_slice %arg4[%add3A_28, %dma_start3A_29] : memref<640000x64xi32, #tpu.memory_space<hbm>> -> memref<400x64xi32, #tpu.memory_space<hbm>>
        %dma_start3A_31 = arith.constant 0 : i32
        %dma_start3A_32 = tpu.memref_slice %arg4[%add3A_28, %dma_start3A_31] : memref<640000x64xi32, #tpu.memory_space<hbm>> -> memref<400x64xi32, #tpu.memory_space<hbm>>
        tpu.enqueue_dma source(%arg7 : memref<400x64xi32, #tpu.memory_space<vmem>>) target(%dma_start3A_32 : memref<400x64xi32, #tpu.memory_space<hbm>>) target_semaphore(%run_scoped3A : memref<!tpu.dma_semaphore, #tpu.memory_space<semaphore_mem>>)
        %dma_wait3A_33 = arith.constant 0 : i32
        %dma_wait3A_34 = tpu.memref_slice %arg4[%add3A_28, %dma_wait3A_33] : memref<640000x64xi32, #tpu.memory_space<hbm>> -> memref<400x64xi32, #tpu.memory_space<hbm>>
        %dma_wait3A_35 = arith.constant 0 : i32
        %dma_wait3A_36 = tpu.memref_slice %arg4[%add3A_28, %dma_wait3A_35] : memref<640000x64xi32, #tpu.memory_space<hbm>> -> memref<400x64xi32, #tpu.memory_space<hbm>>
        tpu.wait_dma2 semaphore(%run_scoped3A : memref<!tpu.dma_semaphore, #tpu.memory_space<semaphore_mem>>) src(%arg7 : memref<400x64xi32, #tpu.memory_space<vmem>>) dst(%dma_wait3A_36 : memref<400x64xi32, #tpu.memory_space<hbm>>)
        tpu.yield
      }) : () -> ()
    }
    %scan3A_7 = arith.constant 25 : i32
    return
  }
}

module attributes {stable_mosaic.version = 14 : i64} {
  func.func @body(%arg0: i32, %arg1: memref<3200x128xbf16, #tpu.memory_space<vmem>>, %arg2: memref<4x3200x128xbf16, #tpu.memory_space<vmem>>, %arg3: memref<5x128x128xbf16, #tpu.memory_space<vmem>>, %arg4: memref<128x3200xbf16, #tpu.memory_space<vmem>>, %arg5: memref<128x1xf32, #tpu.memory_space<vmem>>, %arg6: memref<128x1xf32, #tpu.memory_space<vmem>>) attributes {dimension_semantics = [#tpu.dimension_semantics<arbitrary>], iteration_bounds = array<i64: 50>, scalar_prefetch = 0 : i64, scratch_operands = 0 : i64, tpu.core_type = #tpu.core_type<tc>, window_params = [{transform_indices = @transform_0, window_bounds = array<i64: 3200, 128>}, {transform_indices = @transform_1, window_bounds = array<i64: 4, 3200, 128>}, {pipeline_mode = #tpu.pipeline_mode<synchronous>, transform_indices = @transform_2, window_bounds = array<i64: 5, 128, 128>}, {transform_indices = @transform_3, window_bounds = array<i64: 128, 3200>}, {pipeline_mode = #tpu.pipeline_mode<synchronous>, transform_indices = @transform_4, window_bounds = array<i64: 128, 1>}, {pipeline_mode = #tpu.pipeline_mode<synchronous>, transform_indices = @transform_5, window_bounds = array<i64: 128, 1>}]} {
    %get3A = arith.constant 0 : index
    %get3A_0 = arith.constant 0 : index
    %get3A_1 = vector.load %arg1[%get3A, %get3A_0] : memref<3200x128xbf16, #tpu.memory_space<vmem>>, vector<3200x128xbf16>
    %get3A_2 = arith.constant 0 : index
    %get3A_3 = arith.constant 0 : index
    %get3A_4 = arith.constant 0 : index
    %get3A_5 = vector.load %arg2[%get3A_2, %get3A_3, %get3A_4] : memref<4x3200x128xbf16, #tpu.memory_space<vmem>>, vector<1x3200x128xbf16>
    %get3A_6 = vector.shape_cast %get3A_5 : vector<1x3200x128xbf16> to vector<3200x128xbf16>
    %get3A_7 = arith.constant 1 : index
    %get3A_8 = arith.constant 0 : index
    %get3A_9 = arith.constant 0 : index
    %get3A_10 = vector.load %arg2[%get3A_7, %get3A_8, %get3A_9] : memref<4x3200x128xbf16, #tpu.memory_space<vmem>>, vector<1x3200x128xbf16>
    %get3A_11 = vector.shape_cast %get3A_10 : vector<1x3200x128xbf16> to vector<3200x128xbf16>
    %get3A_12 = arith.constant 2 : index
    %get3A_13 = arith.constant 0 : index
    %get3A_14 = arith.constant 0 : index
    %get3A_15 = vector.load %arg2[%get3A_12, %get3A_13, %get3A_14] : memref<4x3200x128xbf16, #tpu.memory_space<vmem>>, vector<1x3200x128xbf16>
    %get3A_16 = vector.shape_cast %get3A_15 : vector<1x3200x128xbf16> to vector<3200x128xbf16>
    %get3A_17 = arith.constant 3 : index
    %get3A_18 = arith.constant 0 : index
    %get3A_19 = arith.constant 0 : index
    %get3A_20 = vector.load %arg2[%get3A_17, %get3A_18, %get3A_19] : memref<4x3200x128xbf16, #tpu.memory_space<vmem>>, vector<1x3200x128xbf16>
    %get3A_21 = vector.shape_cast %get3A_20 : vector<1x3200x128xbf16> to vector<3200x128xbf16>
    %add3A = arith.addf %get3A_6, %get3A_16 : vector<3200x128xbf16>
    %add3A_22 = arith.addf %get3A_11, %get3A_21 : vector<3200x128xbf16>
    %sub3A = arith.subf %get3A_6, %get3A_16 : vector<3200x128xbf16>
    %abs3A = math.absf %sub3A : vector<3200x128xbf16>
    %sub3A_23 = arith.subf %get3A_11, %get3A_21 : vector<3200x128xbf16>
    %abs3A_24 = math.absf %sub3A_23 : vector<3200x128xbf16>
    %broadcast_in_dim3A = arith.constant 0.000000e+00 : f32
    %broadcast_in_dim3A_25 = vector.broadcast %broadcast_in_dim3A : f32 to vector<128x3200xf32>
    %get3A_26 = arith.constant 0 : index
    %get3A_27 = arith.constant 0 : index
    %get3A_28 = arith.constant 0 : index
    %get3A_29 = vector.load %arg3[%get3A_26, %get3A_27, %get3A_28] : memref<5x128x128xbf16, #tpu.memory_space<vmem>>, vector<1x128x128xbf16>
    %get3A_30 = vector.shape_cast %get3A_29 : vector<1x128x128xbf16> to vector<128x128xbf16>
    %dot_general3A = arith.constant dense<0.000000e+00> : vector<128x3200xf32>
    %dot_general3A_31 = tpu.matmul %get3A_30, %get3A_1, %dot_general3A {dimension_numbers = #tpu.dot_dimension_numbers<[1], [1], [0], [0], [0, 0, 1, 0], [], []>, transpose_lhs_hint = false} : vector<128x128xbf16>, vector<3200x128xbf16>, vector<128x3200xf32> -> vector<128x3200xf32>
    %add3A_32 = arith.addf %broadcast_in_dim3A_25, %dot_general3A_31 : vector<128x3200xf32>
    %get3A_33 = arith.constant 1 : index
    %get3A_34 = arith.constant 0 : index
    %get3A_35 = arith.constant 0 : index
    %get3A_36 = vector.load %arg3[%get3A_33, %get3A_34, %get3A_35] : memref<5x128x128xbf16, #tpu.memory_space<vmem>>, vector<1x128x128xbf16>
    %get3A_37 = vector.shape_cast %get3A_36 : vector<1x128x128xbf16> to vector<128x128xbf16>
    %dot_general3A_38 = arith.constant dense<0.000000e+00> : vector<128x3200xf32>
    %dot_general3A_39 = tpu.matmul %get3A_37, %add3A, %dot_general3A_38 {dimension_numbers = #tpu.dot_dimension_numbers<[1], [1], [0], [0], [0, 0, 1, 0], [], []>, transpose_lhs_hint = false} : vector<128x128xbf16>, vector<3200x128xbf16>, vector<128x3200xf32> -> vector<128x3200xf32>
    %add3A_40 = arith.addf %add3A_32, %dot_general3A_39 : vector<128x3200xf32>
    %get3A_41 = arith.constant 2 : index
    %get3A_42 = arith.constant 0 : index
    %get3A_43 = arith.constant 0 : index
    %get3A_44 = vector.load %arg3[%get3A_41, %get3A_42, %get3A_43] : memref<5x128x128xbf16, #tpu.memory_space<vmem>>, vector<1x128x128xbf16>
    %get3A_45 = vector.shape_cast %get3A_44 : vector<1x128x128xbf16> to vector<128x128xbf16>
    %dot_general3A_46 = arith.constant dense<0.000000e+00> : vector<128x3200xf32>
    %dot_general3A_47 = tpu.matmul %get3A_45, %add3A_22, %dot_general3A_46 {dimension_numbers = #tpu.dot_dimension_numbers<[1], [1], [0], [0], [0, 0, 1, 0], [], []>, transpose_lhs_hint = false} : vector<128x128xbf16>, vector<3200x128xbf16>, vector<128x3200xf32> -> vector<128x3200xf32>
    %add3A_48 = arith.addf %add3A_40, %dot_general3A_47 : vector<128x3200xf32>
    %get3A_49 = arith.constant 3 : index
    %get3A_50 = arith.constant 0 : index
    %get3A_51 = arith.constant 0 : index
    %get3A_52 = vector.load %arg3[%get3A_49, %get3A_50, %get3A_51] : memref<5x128x128xbf16, #tpu.memory_space<vmem>>, vector<1x128x128xbf16>
    %get3A_53 = vector.shape_cast %get3A_52 : vector<1x128x128xbf16> to vector<128x128xbf16>
    %dot_general3A_54 = arith.constant dense<0.000000e+00> : vector<128x3200xf32>
    %dot_general3A_55 = tpu.matmul %get3A_53, %abs3A, %dot_general3A_54 {dimension_numbers = #tpu.dot_dimension_numbers<[1], [1], [0], [0], [0, 0, 1, 0], [], []>, transpose_lhs_hint = false} : vector<128x128xbf16>, vector<3200x128xbf16>, vector<128x3200xf32> -> vector<128x3200xf32>
    %add3A_56 = arith.addf %add3A_48, %dot_general3A_55 : vector<128x3200xf32>
    %get3A_57 = arith.constant 4 : index
    %get3A_58 = arith.constant 0 : index
    %get3A_59 = arith.constant 0 : index
    %get3A_60 = vector.load %arg3[%get3A_57, %get3A_58, %get3A_59] : memref<5x128x128xbf16, #tpu.memory_space<vmem>>, vector<1x128x128xbf16>
    %get3A_61 = vector.shape_cast %get3A_60 : vector<1x128x128xbf16> to vector<128x128xbf16>
    %dot_general3A_62 = arith.constant dense<0.000000e+00> : vector<128x3200xf32>
    %dot_general3A_63 = tpu.matmul %get3A_61, %abs3A_24, %dot_general3A_62 {dimension_numbers = #tpu.dot_dimension_numbers<[1], [1], [0], [0], [0, 0, 1, 0], [], []>, transpose_lhs_hint = false} : vector<128x128xbf16>, vector<3200x128xbf16>, vector<128x3200xf32> -> vector<128x3200xf32>
    %add3A_64 = arith.addf %add3A_56, %dot_general3A_63 : vector<128x3200xf32>
    %convert_element_type3A = arith.truncf %add3A_64 : vector<128x3200xf32> to vector<128x3200xbf16>
    %swap3A = arith.constant 0 : index
    %swap3A_65 = arith.constant 0 : index
    %swap3A_66 = vector.load %arg4[%swap3A, %swap3A_65] : memref<128x3200xbf16, #tpu.memory_space<vmem>>, vector<128x3200xbf16>
    tpu.vector_store %arg4[%swap3A, %swap3A_65], %convert_element_type3A {strides = array<i32>} : memref<128x3200xbf16, #tpu.memory_space<vmem>>, vector<128x3200xbf16>,
    %eq3A = arith.constant 0 : i32
    %eq3A_67 = arith.cmpi eq, %arg0, %eq3A : i32
    %convert_element_type3A_68 = arith.extui %eq3A_67 : i1 to i32
    %cond3A = arith.constant 0 : i32
    %cond3A_69 = arith.cmpi ne, %convert_element_type3A_68, %cond3A : i32
    scf.if %cond3A_69 {
      %broadcast_in_dim3A_89 = arith.constant 0.000000e+00 : f32
      %broadcast_in_dim3A_90 = vector.broadcast %broadcast_in_dim3A_89 : f32 to vector<128x1xf32>
      %swap3A_91 = arith.constant 0 : index
      %swap3A_92 = arith.constant 0 : index
      %swap3A_93 = vector.load %arg5[%swap3A_91, %swap3A_92] : memref<128x1xf32, #tpu.memory_space<vmem>>, vector<128x1xf32>
      tpu.vector_store %arg5[%swap3A_91, %swap3A_92], %broadcast_in_dim3A_90 {strides = array<i32>} : memref<128x1xf32, #tpu.memory_space<vmem>>, vector<128x1xf32>,
      %broadcast_in_dim3A_94 = arith.constant 0.000000e+00 : f32
      %broadcast_in_dim3A_95 = vector.broadcast %broadcast_in_dim3A_94 : f32 to vector<128x1xf32>
      %swap3A_96 = arith.constant 0 : index
      %swap3A_97 = arith.constant 0 : index
      %swap3A_98 = vector.load %arg6[%swap3A_96, %swap3A_97] : memref<128x1xf32, #tpu.memory_space<vmem>>, vector<128x1xf32>
      tpu.vector_store %arg6[%swap3A_96, %swap3A_97], %broadcast_in_dim3A_95 {strides = array<i32>} : memref<128x1xf32, #tpu.memory_space<vmem>>, vector<128x1xf32>,
    } else {
    }
    %get3A_70 = arith.constant 0 : index
    %get3A_71 = arith.constant 0 : index
    %get3A_72 = vector.load %arg5[%get3A_70, %get3A_71] : memref<128x1xf32, #tpu.memory_space<vmem>>, vector<128x1xf32>
    %reduce_sum3A = arith.constant dense<0.000000e+00> : vector<128xf32>
    %reduce_sum3A_73 = vector.multi_reduction <add>, %add3A_64, %reduce_sum3A [1] : vector<128x3200xf32> to vector<128xf32>
    %broadcast_in_dim3A_74 = vector.shape_cast %reduce_sum3A_73 : vector<128xf32> to vector<128x1xf32>
    %add3A_75 = arith.addf %get3A_72, %broadcast_in_dim3A_74 : vector<128x1xf32>
    %swap3A_76 = arith.constant 0 : index
    %swap3A_77 = arith.constant 0 : index
    %swap3A_78 = vector.load %arg5[%swap3A_76, %swap3A_77] : memref<128x1xf32, #tpu.memory_space<vmem>>, vector<128x1xf32>
    tpu.vector_store %arg5[%swap3A_76, %swap3A_77], %add3A_75 {strides = array<i32>} : memref<128x1xf32, #tpu.memory_space<vmem>>, vector<128x1xf32>,
    %get3A_79 = arith.constant 0 : index
    %get3A_80 = arith.constant 0 : index
    %get3A_81 = vector.load %arg6[%get3A_79, %get3A_80] : memref<128x1xf32, #tpu.memory_space<vmem>>, vector<128x1xf32>
    %mul3A = arith.mulf %add3A_64, %add3A_64 : vector<128x3200xf32>
    %reduce_sum3A_82 = arith.constant dense<0.000000e+00> : vector<128xf32>
    %reduce_sum3A_83 = vector.multi_reduction <add>, %mul3A, %reduce_sum3A_82 [1] : vector<128x3200xf32> to vector<128xf32>
    %broadcast_in_dim3A_84 = vector.shape_cast %reduce_sum3A_83 : vector<128xf32> to vector<128x1xf32>
    %add3A_85 = arith.addf %get3A_81, %broadcast_in_dim3A_84 : vector<128x1xf32>
    %swap3A_86 = arith.constant 0 : index
    %swap3A_87 = arith.constant 0 : index
    %swap3A_88 = vector.load %arg6[%swap3A_86, %swap3A_87] : memref<128x1xf32, #tpu.memory_space<vmem>>, vector<128x1xf32>
    tpu.vector_store %arg6[%swap3A_86, %swap3A_87], %add3A_85 {strides = array<i32>} : memref<128x1xf32, #tpu.memory_space<vmem>>, vector<128x1xf32>,
    return
  }
  func.func @transform_0(%arg0: i32) -> (i32, i32) {
    %c0_i32 = arith.constant 0 : i32
    %c0_i32_0 = arith.constant 0 : i32
    return %arg0, %c0_i32 : i32, i32
  }
  func.func @transform_1(%arg0: i32) -> (i32, i32, i32) {
    %c0_i32 = arith.constant 0 : i32
    %c0_i32_0 = arith.constant 0 : i32
    %c0_i32_1 = arith.constant 0 : i32
    return %c0_i32, %arg0, %c0_i32_0 : i32, i32, i32
  }
  func.func @transform_2(%arg0: i32) -> (i32, i32, i32) {
    %c0_i32 = arith.constant 0 : i32
    %c0_i32_0 = arith.constant 0 : i32
    %c0_i32_1 = arith.constant 0 : i32
    %c0_i32_2 = arith.constant 0 : i32
    return %c0_i32, %c0_i32_0, %c0_i32_1 : i32, i32, i32
  }
  func.func @transform_3(%arg0: i32) -> (i32, i32) {
    %c0_i32 = arith.constant 0 : i32
    %c0_i32_0 = arith.constant 0 : i32
    return %c0_i32, %arg0 : i32, i32
  }
  func.func @transform_4(%arg0: i32) -> (i32, i32) {
    %c0_i32 = arith.constant 0 : i32
    %c0_i32_0 = arith.constant 0 : i32
    %c0_i32_1 = arith.constant 0 : i32
    return %c0_i32, %c0_i32_0 : i32, i32
  }
  func.func @transform_5(%arg0: i32) -> (i32, i32) {
    %c0_i32 = arith.constant 0 : i32
    %c0_i32_0 = arith.constant 0 : i32
    %c0_i32_1 = arith.constant 0 : i32
    return %c0_i32, %c0_i32_0 : i32, i32
  }
}

module attributes {stable_mosaic.version = 14 : i64} {
  func.func @body(%arg0: i32, %arg1: memref<128x3200xbf16, #tpu.memory_space<vmem>>, %arg2: memref<128x1xf32, #tpu.memory_space<vmem>>, %arg3: memref<128x1xf32, #tpu.memory_space<vmem>>, %arg4: memref<128x3200xf32, #tpu.memory_space<vmem>>) attributes {dimension_semantics = [#tpu.dimension_semantics<arbitrary>], iteration_bounds = array<i64: 50>, scalar_prefetch = 0 : i64, scratch_operands = 0 : i64, tpu.core_type = #tpu.core_type<tc>, window_params = [{transform_indices = @transform_0, window_bounds = array<i64: 128, 3200>}, {pipeline_mode = #tpu.pipeline_mode<synchronous>, transform_indices = @transform_1, window_bounds = array<i64: 128, 1>}, {pipeline_mode = #tpu.pipeline_mode<synchronous>, transform_indices = @transform_2, window_bounds = array<i64: 128, 1>}, {transform_indices = @transform_3, window_bounds = array<i64: 128, 3200>}]} {
    %get3A = arith.constant 0 : index
    %get3A_0 = arith.constant 0 : index
    %get3A_1 = vector.load %arg2[%get3A, %get3A_0] : memref<128x1xf32, #tpu.memory_space<vmem>>, vector<128x1xf32>
    %mul3A = arith.constant 6.250000e-06 : f32
    %mul3A_2 = vector.broadcast %mul3A : f32 to vector<128x1xf32>
    %mul3A_3 = arith.mulf %get3A_1, %mul3A_2 : vector<128x1xf32>
    %get3A_4 = arith.constant 0 : index
    %get3A_5 = arith.constant 0 : index
    %get3A_6 = vector.load %arg3[%get3A_4, %get3A_5] : memref<128x1xf32, #tpu.memory_space<vmem>>, vector<128x1xf32>
    %mul3A_7 = arith.constant 6.250000e-06 : f32
    %mul3A_8 = vector.broadcast %mul3A_7 : f32 to vector<128x1xf32>
    %mul3A_9 = arith.mulf %get3A_6, %mul3A_8 : vector<128x1xf32>
    %mul3A_10 = arith.mulf %mul3A_3, %mul3A_3 : vector<128x1xf32>
    %sub3A = arith.subf %mul3A_9, %mul3A_10 : vector<128x1xf32>
    %add3A = arith.constant 9.99999974E-6 : f32
    %add3A_11 = vector.broadcast %add3A : f32 to vector<128x1xf32>
    %add3A_12 = arith.addf %sub3A, %add3A_11 : vector<128x1xf32>
    %rsqrt3A = math.rsqrt %add3A_12 : vector<128x1xf32>
    %get3A_13 = arith.constant 0 : index
    %get3A_14 = arith.constant 0 : index
    %get3A_15 = vector.load %arg1[%get3A_13, %get3A_14] : memref<128x3200xbf16, #tpu.memory_space<vmem>>, vector<128x3200xbf16>
    %convert_element_type3A = arith.extf %get3A_15 : vector<128x3200xbf16> to vector<128x3200xf32>
    %sub3A_16 = vector.broadcast %mul3A_3 : vector<128x1xf32> to vector<128x3200xf32>
    %sub3A_17 = arith.subf %convert_element_type3A, %sub3A_16 : vector<128x3200xf32>
    %mul3A_18 = vector.broadcast %rsqrt3A : vector<128x1xf32> to vector<128x3200xf32>
    %mul3A_19 = arith.mulf %sub3A_17, %mul3A_18 : vector<128x3200xf32>
    %max3A = arith.constant 0.000000e+00 : f32
    %max3A_20 = vector.broadcast %max3A : f32 to vector<128x3200xf32>
    %max3A_21 = arith.maximumf %mul3A_19, %max3A_20 : vector<128x3200xf32>
    %swap3A = arith.constant 0 : index
    %swap3A_22 = arith.constant 0 : index
    %swap3A_23 = vector.load %arg4[%swap3A, %swap3A_22] : memref<128x3200xf32, #tpu.memory_space<vmem>>, vector<128x3200xf32>
    tpu.vector_store %arg4[%swap3A, %swap3A_22], %max3A_21 {strides = array<i32>} : memref<128x3200xf32, #tpu.memory_space<vmem>>, vector<128x3200xf32>,
    return
  }
  func.func @transform_0(%arg0: i32) -> (i32, i32) {
    %c0_i32 = arith.constant 0 : i32
    %c0_i32_0 = arith.constant 0 : i32
    return %c0_i32, %arg0 : i32, i32
  }
  func.func @transform_1(%arg0: i32) -> (i32, i32) {
    %c0_i32 = arith.constant 0 : i32
    %c0_i32_0 = arith.constant 0 : i32
    %c0_i32_1 = arith.constant 0 : i32
    return %c0_i32, %c0_i32_0 : i32, i32
  }
  func.func @transform_2(%arg0: i32) -> (i32, i32) {
    %c0_i32 = arith.constant 0 : i32
    %c0_i32_0 = arith.constant 0 : i32
    %c0_i32_1 = arith.constant 0 : i32
    return %c0_i32, %c0_i32_0 : i32, i32
  }
  func.func @transform_3(%arg0: i32) -> (i32, i32) {
    %c0_i32 = arith.constant 0 : i32
    %c0_i32_0 = arith.constant 0 : i32
    return %c0_i32, %arg0 : i32, i32
  }
}

</mosaic_0001>

<sc_bundles>
// kernel: kernel.5.cloned.1.call-start
scs
__scs_entry_jumppad:
0x0: {  	(pc) =	sbr.rel $0x88, $3  }
0x1: {  	(tag) =	ssettag $0x0;
	lr =	simm.s32 $0x1  }
0x2: {  	[smem:$0x3F9E] =	sst lr;
	_ =	strace $0xD0000000  }
0x3: {  	_ = 	snop  }
0x4: {  	_ = 	snop  }
0x5: {  	_ = 	snop  }
0x6: {  	_ = 	snop  }
0x7: {  	_ = 	snop  }
__scs_overlays_trampoline_lowered:
0x8: {  	[smem:$0x3FAD] =	sst s0  }
0x9: {  	[smem:$0x3FAE] =	sst s1  }
0xa: {  	[smem:$0x3FAF] =	sst s2  }
0xb: {  	[smem:$0x3FB0] =	sst s3  }
0xc: {  	[smem:$0x3FB1] =	sst s4  }
0xd: {  	[smem:$0x3FB2] =	sst s5  }
0xe: {  	[smem:$0x3FB3] =	sst s6  }
0xf: {  	[smem:$0x3FB4] =	sst s7  }
0x10: {  	[smem:$0x3FB5] =	sst s8  }
0x11: {  	[smem:$0x3FB6] =	sst s9;
	s0 =	simm.s32 @!p0 $0x0  }
0x12: {  	s1 =	sld [smem:$0x3F9C];
	s0 =	simm.s32 @p0 $0x1  }
0x13: {  	[smem:$0x3FB7] =	sst s0;
	s0 =	simm.s32 @!p1 $0x0  }
0x14: {  	s2 =	sld [smem:$0x3F9B];
	s0 =	simm.s32 @p1 $0x1  }
0x15: {  	[smem:$0x3FB8] =	sst s0;
	s0 =	simm.s32 @!p2 $0x0  }
0x16: {  	s3 =	sld [smem:$0x3FDB];
	s0 =	simm.s32 @p2 $0x1  }
0x17: {  	s4 =	simm.s32 $0x1BF5;
	[smem:$0x3FBA] =	sst s0  }
0x18: {  	s0 =	sld [smem:$0x3F9D];
	_ =	swait.ge [sflag:s4], $0x0  }
0x19: {  	s7 =	sld [smem:$0x3F9E]  }
0x1a: {  	s8 =	sadd.s32 $0xFFFFE003, lr  }
0x1b: {  	s9 =	sadd.s32 $0xFFFFFEF7, lr;
	s5 =	simm.s32 $0xFFFFFFFF;
	p2 =	slt.u32 s8, $0xFFFFF086  }
0x1c: {  	p1 =	slt.u32 s9, $0xF7A;
	s5 =	simm.s32 @!p2 $0x0  }
0x1d: {  	s5 =	simm.s32 @p1 $0x1;
	p0 =	seq.s32 s7, s2  }
0x1e: {  	s7 =	smul.u32 @!p0 $0xF7A, s2;
	p2 =	seq.s32 @!p0 s5, $0x0  }
0x1f: {  	s9 =	smul.u32 $0xF7A, s1;
	s8 =	simm.s32 @!p0 $0x1BF5;
	p2 =	por !p2, p0  }
0x20: {  	[sflag:s8] =	ssyncset.s32 @!p0 $0xFFFFF086;
	s6 =	sadd.s32 @!p0 s3, s7;
	s7 =	simm.s32 @!p0 $0x108  }
0x21: {  	s3 =	sadd.s32 s3, s9;
	s6 =	sadd.s32 @!p0 $0x88, s6;
	s7 =	simm.s32 @p2 $0x1082  }
0x22: {  	[simem:s7], [sflag:s8] =	dma.local @!p0 [hbm:s6], $0xF7A  }
0x23: {  	s9 =	sor.u32 $0xD0000000, s2;
	s6 =	simm.s32 $0x108;
	_ =	swait.ge @!p0 [sflag:s8], $0x0  }
0x24: {  	s3 =	sadd.s32 $0x88, s3;
	s6 =	simm.s32 @!p1 $0x1082;
	[sflag:s4] =	ssyncset.s32 $0xFFFFF086  }
0x25: {  	[simem:s6], [sflag:s4] =	dma.local [hbm:s3], $0xF7A  }
0x26: {  	[smem:$0x3F9E] =	sst s1;
	(tag) =	ssettag s2;
	_ =	strace s9  }
0x27: {  	s1 =	sld [smem:$0x3FAE]  }
0x28: {  	s2 =	sld [smem:$0x3FAF]  }
0x29: {  	s4 =	sld [smem:$0x3FB1]  }
0x2a: {  	p0 =	seq.s32 s5, $0x0;
	s5 =	sld [smem:$0x3FB2]  }
0x2b: {  	s6 =	sld [smem:$0x3FB3]  }
0x2c: {  	s7 =	sld [smem:$0x3FB4]  }
0x2d: {  	s3 =	simm.s32 $0x108;
	s8 =	sld [smem:$0x3FB5]  }
0x2e: {  	s3 =	simm.s32 @!p0 $0x1082;
	s9 =	sld [smem:$0x3FB6]  }
0x2f: {  	lr =	sadd.s32 s0, s3;
	s0 =	sld [smem:$0x3FAD]  }
0x30: {  	s3 =	sld [smem:$0x3FB0]  }
0x31: {  	[smem:$0x3FB9] =	sst s10  }
0x32: {  	s10 =	sld [smem:$0x3FB7];
	_ =	sdelay $0x3  }
0x33: {  	p0 =	seq.s32 s10, $0x1;
	s10 =	sld [smem:$0x3FB9];
	_ =	sdelay $0x3  }
0x34: {  	[smem:$0x3FB9] =	sst s10  }
0x35: {  	s10 =	sld [smem:$0x3FB8];
	_ =	sdelay $0x3  }
0x36: {  	p1 =	seq.s32 s10, $0x1;
	s10 =	sld [smem:$0x3FB9];
	_ =	sdelay $0x3  }
0x37: {  	[smem:$0x3FB9] =	sst s10  }
0x38: {  	s10 =	sld [smem:$0x3FBA]  }
0x39: {  	_ = 	snop;
	(pc) =	sbr.ind lr, $3  }
0x3a: {  	_ = 	snop  }
0x3b: {  	_ = 	snop  }
0x3c: {  	p2 =	seq.s32 s10, $0x1;
	s10 =	sld [smem:$0x3FB9]  }
0x3d: {  	_ =	shalt  }
0x3e: {  	_ =	shalt  }
0x3f: {  	_ =	shalt  }
0x40: {  	_ =	shalt  }
0x41: {  	_ =	shalt  }
0x42: {  	_ =	shalt  }
0x43: {  	_ =	shalt  }
0x44: {  	_ =	shalt  }
0x45: {  	_ =	shalt  }
0x46: {  	_ =	shalt  }
0x47: {  	_ =	shalt  }
0x48: {  	_ =	shalt  }
0x49: {  	_ =	shalt  }
0x4a: {  	_ =	shalt  }
0x4b: {  	_ =	shalt  }
0x4c: {  	_ =	shalt  }
0x4d: {  	_ =	shalt  }
0x4e: {  	_ =	shalt  }
0x4f: {  	_ =	shalt  }
0x50: {  	_ =	shalt  }
0x51: {  	_ =	shalt  }
0x52: {  	_ =	shalt  }
0x53: {  	_ =	shalt  }
0x54: {  	_ =	shalt  }
0x55: {  	_ =	shalt  }
0x56: {  	_ =	shalt  }
0x57: {  	_ =	shalt  }
0x58: {  	_ =	shalt  }
0x59: {  	_ =	shalt  }
0x5a: {  	_ =	shalt  }
0x5b: {  	_ =	shalt  }
0x5c: {  	_ =	shalt  }
0x5d: {  	_ =	shalt  }
0x5e: {  	_ =	shalt  }
0x5f: {  	_ =	shalt  }
0x60: {  	_ =	shalt  }
0x61: {  	_ =	shalt  }
0x62: {  	_ =	shalt  }
0x63: {  	_ =	shalt  }
0x64: {  	_ =	shalt  }
0x65: {  	_ =	shalt  }
0x66: {  	_ =	shalt  }
0x67: {  	_ =	shalt  }
0x68: {  	_ =	shalt  }
0x69: {  	_ =	shalt  }
0x6a: {  	_ =	shalt  }
0x6b: {  	_ =	shalt  }
0x6c: {  	_ =	shalt  }
0x6d: {  	_ =	shalt  }
0x6e: {  	_ =	shalt  }
0x6f: {  	_ =	shalt  }
0x70: {  	_ =	shalt  }
0x71: {  	_ =	shalt  }
0x72: {  	_ =	shalt  }
0x73: {  	_ =	shalt  }
0x74: {  	_ =	shalt  }
0x75: {  	_ =	shalt  }
0x76: {  	_ =	shalt  }
0x77: {  	_ =	shalt  }
0x78: {  	_ =	shalt  }
0x79: {  	_ =	shalt  }
0x7a: {  	_ =	shalt  }
0x7b: {  	_ =	shalt  }
0x7c: {  	_ =	shalt  }
0x7d: {  	_ =	shalt  }
0x7e: {  	_ =	shalt  }
0x7f: {  	_ =	shalt  }
0x80: {  	_ =	shalt  }
0x81: {  	_ =	shalt  }
0x82: {  	_ =	shalt  }
0x83: {  	_ =	shalt  }
0x84: {  	_ =	shalt  }
0x85: {  	_ =	shalt  }
0x86: {  	_ =	shalt  }
0x87: {  	_ =	shalt  }
.Lfunc_end0:
.L_simem_size_0:
called_computation.4_lowered:
.L_overlay_start_0:
0x88: {  	s2 =	sld [smem:$0x3FD9]  }
0x89: {  	s3 =	sld [smem:$0x3FFE];
	_ =	sdelay $0x1  }
0x8a: {  	s1 =	srdreg.scid  }
0x8b: {  	s0 =	sand.u32 $0x1, s1  }
0x8c: {  	s16 =	sshll.u32 s0, $0xA;
	s2 =	sadd.s32 s3, s2  }
0x8d: {  	s2 =	sadd.s32 s2, s16  }
0x8e: {  	[smem:$0x3FC5] =	sst s2  }
0x8f: {  	_ = 	snop  }
0x90: {  	(tm) =	ssettm $0x1  }
0x91: {  	s17 =	sld [smem:$0x3FFB];
	_ =	sdelay $0x3  }
0x92: {  	_ =	strace s17  }
0x93: {  	s2 =	sld [smem:$0x3FFC];
	_ =	sdelay $0x3  }
0x94: {  	_ =	strace s2  }
0x95: {  	s2 =	sld [smem:$0x3FFD];
	_ =	sdelay $0x3  }
0x96: {  	_ =	strace s2  }
0x97: {  	_ =	strace $0x8FFFFFFF  }
0x98: {  	s18 =	sld [smem:$0x3FDB];
	_ =	sdelay $0x1  }
0x99: {  	s19 =	simm.s32 $_scs_section_size  }
0x9a: {  	s4 =	simm.s32 $_size__tile_overlayer_lowered;
	s5 =	simm.s32 $_tile_overlayer_lowered  }
0x9b: {  	s22 =	simm.s32 $0x1BFF;
	s21 =	sshll.u32 s5, $0x1;
	s2 =	sadd.s32 s19, s18  }
0x9c: {  	s6 =	simm.s32 $0x0;
	s20 =	sshll.u32 s4, $0x1;
	s4 =	sadd.s32 s21, s2  }
0x9d: {  	[timem:s6], [sflag:s22] =	dma.local [hbm:s4], s20  }
0x9e: {  	_ =	swait.ge [sflag:s22], s20  }
0x9f: {  	s3 =	ssub.s32 $0x0, s20;
	[sflag:s22] =	ssyncset.done $0x0  }
0xa0: {  	[sflag:s22] =	ssyncadd.s32 s3;
	_ =	sdelay $0x1  }
0xa1: {  	s23 =	simm.s32 $0x1B8B  }
0xa2: {  	_ =	swait.ge [sflag:s23], $0x1  }
0xa3: {  	[sflag:s23] =	ssyncset.done $0x0  }
0xa4: {  	s25 =	simm.s32 $0x1B8E;
	s24 =	sld [smem:$0x3FFE];
	[sflag:s23] =	ssyncadd.s32 $0xFFFFFFFF  }
0xa5: {  	s26 =	simm.s32 $execute0_lowered;
	[smem:$0x3FD2] =	sst s25  }
0xa6: {  	s4 =	sshll.u32 s26, $0x1;
	_ =	strace $0x8000004C;
	[dreg:$0x1] =	wrdreg $0xFFFFFFFF  }
0xa7: {  	s28 =	simm.s32 $_size_execute0_lowered;
	s2 =	sadd.s32 s2, s4;
	[dreg:$0x0] =	wrdreg $0x0  }
0xa8: {  	s4 =	sshll.u32 s28, $0x1;
	[dreg:$0x2] =	wrdreg s2  }
0xa9: {  	[dreg:$0x3] =	wrdreg s4  }
0xaa: {  	[dreg:$0x4] =	wrdreg $0xC0  }
0xab: {  	_ =	task [dreg:s6], $0x5FFFF  }
0xac: {  	[dreg:$0x1] =	wrdreg $0xFFFFFFFF  }
0xad: {  	[dreg:$0x0] =	wrdreg $0x60  }
0xae: {  	[dreg:$0x2] =	wrdreg s24  }
0xaf: {  	[dreg:$0x3] =	wrdreg $0x9  }
0xb0: {  	_ =	task.clear_ibuf [dreg:s6], $0x4FFFF;
	_ =	strace $0x9000004C  }
0xb1: {  	s29 =	simm.s32 $0x9;
	_ =	strace $0x8000004E  }
0xb2: {  	_ =	swait.ge [sflag:s29], $0x1  }
0xb3: {  	[sflag:s29] =	ssyncadd.s32 $0xFFFFFFFF  }
0xb4: {  	_ =	strace $0x9000004E  }
0xb5: {  	_ =	sfence  }
0xb6: {  	s30 =	sld [smem:$0x0];
	_ =	sdelay $0x2  }
0xb7: {  	s31 =	sshll.u32 s1, $0xD;
	s1 =	sshrl.u32 s1, $0x2  }
0xb8: {  	s3 =	sand.u32 $0x4000, s31;
	s1 =	sadd.s32 s1, s30  }
0xb9: {  	s0 =	sor.u32 s3, s0;
	s1 =	sshll.u32 s1, $0x11  }
0xba: {  	s0 =	sor.u32 s1, s0  }
0xbb: {  	s0 =	sadd.s32 $0x8F2B, s0  }
0xbc: {  	[sflag:s0] =	ssyncadd.remote.s32 $0x1  }
0xbd: {  	_ =	sfence.sel $0xFFFF  }
0xbe: {  	[dreg:$0x0] =	wrdreg $0xFFFFFFFF;
	(pc) =	sbr.abs _section_cstart, $3  }
0xbf: {  	[dreg:$0x1] =	wrdreg $0xFFFFFFFF  }
0xc0: {  	_ =	task.clear_ibuf [dreg:s6], $0x2FFFF;
	_ =	strace $0x9FFFFFFF  }
0xc1: {  	(tm) =	ssettm $0x7FFFFFFF  }
tec
execute0_lowered:
.L_overlay_start_1:
0x0: {  	(tag) =	ssettag $0x1  }
0x1: {  	s4 =	rddreg [dreg:$0x0]  }
0x2: {  	s0 =	rddreg [dreg:$0x1]  }
0x3: {  	s3 =	srdreg.scid;
	s1 =	stileid.u32  }
0x4: {  	s2 =	simm.s32 $0x0;
	s12 =	simm.s32 $0x1;
	s13 =	simm.s32 $0x2  }
0x5: {  	s14 =	simm.s32 $0x0;
	s5 =	sand.u32 $0x1, s3;
	s7 =	smul.u32 $0x9C40, s1  }
0x6: {  	s28 =	sshll.u32 s1, $0x1;
	[smem:$0x7FF] =	sst s2;
	s11 =	smul.u32 $0x4E200, s1  }
0x7: {  	s10 =	sadd.s32 $0x286000, s4;
	s3 =	sor.u32 s5, s28;
	s9 =	smul.u32 $0x4E20, s5  }
0x8: {  	_ =	strace $0x8000004D;
	s8 =	ssub.s32 $0x2, s5;
	s30 =	smul.u32 $0x27100, s5  }
0x9: {  	s6 =	smul.u32 $0x4E20, s3;
	s3 =	sadd.s32 $0x14D800, s4;
	s29 =	sshrl.u32 s8, $0x1  }
0xa: {  	s31 =	sadd.s32 s11, s10;
	s11 =	simm.s32 $0xB220;
	s8 =	ssub.s32 s8, s29  }
0xb: {  	s7 =	sadd.s32 s9, s7;
	s9 =	simm.s32 $0x190;
	s6 =	sshrl.u32 s6, $0x3  }
0xc: {  	s7 =	sshll.u32 s7, $0x3;
	s5 =	smax.u32 s8, $0x1;
	s8 =	simm.s32 $0x3  }
0xd: {  	s6 =	sadd.s32 s6, s4;
	s7 =	sadd.s32 s10, s7;
	s10 =	simm.s32 $0x4E20  }
0xe: {  	s4 =	sadd.s32 $0x139E00, s6;
	s6 =	sadd.s32 s30, s31;
	s7 =	sadd.s32 $0xC80, s7  }
.LBB2_1:
0xf: {  	[tilespmem:s2], [sflag:$0x3] =	stream.linear.gather [hbm4b:s4+s2], $0x4E20, $0x38;
	[tilespmem:$0x11620] =	vst v63  }
0x10: {  	_ =	swait.ge [sflag:s8], $0x4E20  }
0x11: {  	[sflag:s8] =	ssyncset.done $0x0  }
0x12: {  	[sflag:s8] =	ssyncadd.s32 $0xFFFFB1E0  }
0x13: {  	[tilespmem:s10], [sflag:$0x1] =	stream.indirect.gather [hbm4b:s3+s9], $0x40, s2, s9, $0xb8;
	[tilespmem:$0x11620] =	vst v63  }
0x14: {  	s15 =	simm.s32 $0x190  }
0x15: {  	[tilespmem:s11], [sflag:$0x2] =	stream.indirect.gather [hbm4b:s3+s9], $0x40, s15, s9, $0xb8;
	[tilespmem:$0x11620] =	vst v63  }
0x16: {  	_ =	swait.ge [sflag:s12], $0x6400  }
0x17: {  	[sflag:s12] =	ssyncset.done $0x0  }
0x18: {  	s30 =	sadd.s32 $0x0, s6;
	[sflag:s12] =	ssyncadd.s32 $0xFFFF9C00  }
0x19: {  	[hbm4b:s30+s2] =	stream.linear.scatter [tilespmem:s10], [sflag:$0x3], $0x6400, $0x38;
	[tilespmem:$0x11620] =	vst v63  }
0x1a: {  	_ =	swait.ge [sflag:s8], $0x6400  }
0x1b: {  	[sflag:s8] =	ssyncset.done $0x0  }
0x1c: {  	[sflag:s8] =	ssyncadd.s32 $0xFFFF9C00  }
0x1d: {  	_ =	swait.ge [sflag:s13], $0x6400  }
0x1e: {  	[sflag:s13] =	ssyncset.done $0x0  }
0x1f: {  	s31 =	sadd.s32 $0x0, s7;
	[sflag:s13] =	ssyncadd.s32 $0xFFFF9C00  }
0x20: {  	[hbm4b:s31+s2] =	stream.linear.scatter [tilespmem:s11], [sflag:$0x3], $0x6400, $0x38;
	[tilespmem:$0x11620] =	vst v63  }
0x21: {  	_ =	swait.ge [sflag:s8], $0x6400  }
0x22: {  	s16 =	simm.s32 $0x0;
	s15 =	simm.s32 $0x1900;
	[sflag:s8] =	ssyncset.done $0x0  }
.LBB2_2:
0x23: {  	p0 =	sne.s32 s15, $0x25800;
	[sflag:s8] =	ssyncadd.s32 $0xFFFF9C00;
	s16 =	sadd.s32 $0x320, s16  }
0x24: {  	[tilespmem:s10], [sflag:$0x1] =	stream.indirect.gather [hbm4b:s3+s9], $0x40, s16, s9, $0xb8;
	[tilespmem:$0x11620] =	vst v63  }
0x25: {  	s18 =	smov.u32 s15;
	s15 =	sadd.s32 $0x1900, s15;
	s17 =	sadd.s32 $0x190, s16  }
0x26: {  	[tilespmem:s11], [sflag:$0x2] =	stream.indirect.gather [hbm4b:s3+s9], $0x40, s17, s9, $0xb8;
	[tilespmem:$0x11620] =	vst v63  }
0x27: {  	_ =	swait.ge [sflag:s12], $0x6400  }
0x28: {  	[sflag:s12] =	ssyncset.done $0x0  }
0x29: {  	s17 =	sadd.s32 s18, s6;
	[sflag:s12] =	ssyncadd.s32 $0xFFFF9C00  }
0x2a: {  	[hbm4b:s17+s2] =	stream.linear.scatter [tilespmem:s10], [sflag:$0x3], $0x6400, $0x38;
	[tilespmem:$0x11620] =	vst v63  }
0x2b: {  	_ =	swait.ge [sflag:s8], $0x6400  }
0x2c: {  	[sflag:s8] =	ssyncset.done $0x0  }
0x2d: {  	[sflag:s8] =	ssyncadd.s32 $0xFFFF9C00  }
0x2e: {  	_ =	swait.ge [sflag:s13], $0x6400  }
.Ltmp0:
0x2f: {  	[sflag:s13] =	ssyncset.done $0x0;
	(pc) =	sbr.rel @p0 .LBB2_2-.Ltmp0, $4  }
0x30: {  	s17 =	sadd.s32 s18, s7;
	[sflag:s13] =	ssyncadd.s32 $0xFFFF9C00  }
0x31: {  	[hbm4b:s17+s2] =	stream.linear.scatter [tilespmem:s11], [sflag:$0x3], $0x6400, $0x38;
	[tilespmem:$0x11620] =	vst v63  }
0x32: {  	_ =	swait.ge [sflag:s8], $0x6400  }
0x33: {  	[sflag:s8] =	ssyncset.done $0x0  }
0x34: {  	s14 =	sadd.s32 $0x1, s14  }
0x35: {  	p0 =	sne.s32 s14, s5  }
.Ltmp1:
0x36: {  	_ = 	snop;
	(pc) =	sbr.rel @p0 .LBB2_1-.Ltmp1, $2  }
0x37: {  	_ =	sdelay $0x2  }
0x38: {  	[sflag:s8] =	ssyncadd.s32 $0xFFFF9C00  }
0x39: {  	_ =	sfence.sel $0x180000  }
0x3a: {  	[bflag:$0x0] =	sbarrier.arrive $0xFFFF  }
0x3b: {  	p0 =	sne.s32 s1, $0x0;
	_ =	strace $0x9000004D  }
0x3c: {  	s0 =	sadd.s32 @!p0 $0x100000, s0;
	[bflag:$0x2] =	sbarrier.arrive $0xFFFF  }
0x3d: {  	[sflag:s0] =	ssyncadd.tile.s32 @!p0 $0x1;
	_ =	shalt  }
.Lfunc_end2:
_tile_overlayer_lowered:
.L_overlay_start_2:
0x3e: {  	(tag) =	ssettag $0x2  }
0x3f: {  	s0 =	rddreg [dreg:$0x0];
	s2 =	stileid.u32  }
0x40: {  	s1 =	rddreg [dreg:$0x1];
	p0 =	sne.s32 s2, $0x0  }
0x41: {  	s3 =	rddreg [dreg:$0x2];
	[bflag:$0x3] =	sbarrier.arrive $0xFFFF;
	s2 =	simm.s32 @!p0 $0x1C03  }
0x42: {  	[timem:s3], [sflag:s2] =	dma.local @!p0 [hbm:s0], s1  }
0x43: {  	s0 =	simm.s32 @!p0 $0x3  }
0x44: {  	_ =	swait.ge @!p0 [sflag:s0], s1  }
0x45: {  	s1 =	ssub.s32 @!p0 $0x0, s1;
	[sflag:s0] =	ssyncset.done @!p0 $0x0  }
0x46: {  	[sflag:s0] =	ssyncadd.s32 @!p0 s1  }
0x47: {  	[bflag:$0x3] =	sbarrier.arrive $0xFFFF  }
0x48: {  	_ =	shalt  }

// kernel: sparse-core-data-format-call.1.cloned.1.call-start
scs
called_computation.1_lowered:
.L_overlay_start_0:
0x0: {  	s1 =	sld [smem:$0x3FD9]  }
0x1: {  	s2 =	sld [smem:$0x3FFE];
	_ =	sdelay $0x1  }
0x2: {  	s3 =	srdreg.scid  }
0x3: {  	s0 =	sand.u32 $0x1, s3  }
0x4: {  	s17 =	sshll.u32 s0, $0xA;
	s1 =	sadd.s32 s2, s1  }
0x5: {  	s1 =	sadd.s32 s1, s17  }
0x6: {  	[smem:$0x3FC5] =	sst s1  }
0x7: {  	_ = 	snop  }
0x8: {  	(tm) =	ssettm $0x1  }
0x9: {  	s18 =	sld [smem:$0x3FFB];
	_ =	sdelay $0x3  }
0xa: {  	_ =	strace s18  }
0xb: {  	s1 =	sld [smem:$0x3FFC];
	_ =	sdelay $0x3  }
0xc: {  	_ =	strace s1  }
0xd: {  	s1 =	sld [smem:$0x3FFD];
	_ =	sdelay $0x3  }
0xe: {  	_ =	strace s1  }
0xf: {  	_ =	strace $0x8FFFFFFF  }
0x10: {  	s19 =	sld [smem:$0x3FDB];
	_ =	sdelay $0x1  }
0x11: {  	s20 =	simm.s32 $_scs_section_size  }
0x12: {  	s4 =	simm.s32 $_size__tile_overlayer_lowered;
	s5 =	simm.s32 $_tile_overlayer_lowered  }
0x13: {  	s23 =	simm.s32 $0x1BFF;
	s22 =	sshll.u32 s5, $0x1;
	s1 =	sadd.s32 s20, s19  }
0x14: {  	s6 =	simm.s32 $0x0;
	s21 =	sshll.u32 s4, $0x1;
	s4 =	sadd.s32 s22, s1  }
0x15: {  	[timem:s6], [sflag:s23] =	dma.local [hbm:s4], s21  }
0x16: {  	_ =	swait.ge [sflag:s23], s21  }
0x17: {  	s2 =	ssub.s32 $0x0, s21;
	[sflag:s23] =	ssyncset.done $0x0  }
0x18: {  	[sflag:s23] =	ssyncadd.s32 s2;
	_ =	sdelay $0x1  }
0x19: {  	s24 =	simm.s32 $0x1B8B  }
0x1a: {  	_ =	swait.ge [sflag:s24], $0x1  }
0x1b: {  	[sflag:s24] =	ssyncset.done $0x0  }
0x1c: {  	s26 =	simm.s32 $0x1B8E;
	s25 =	sld [smem:$0x3FFE];
	[sflag:s24] =	ssyncadd.s32 $0xFFFFFFFF  }
0x1d: {  	s27 =	simm.s32 $execute0_lowered;
	[smem:$0x3FD2] =	sst s26  }
0x1e: {  	s4 =	sshll.u32 s27, $0x1;
	_ =	strace $0x8000004F;
	[dreg:$0x1] =	wrdreg $0xFFFFFFFF  }
0x1f: {  	s28 =	simm.s32 $_size_execute0_lowered;
	s1 =	sadd.s32 s1, s4;
	[dreg:$0x0] =	wrdreg $0x0  }
0x20: {  	s4 =	sshll.u32 s28, $0x1;
	[dreg:$0x2] =	wrdreg s1  }
0x21: {  	[dreg:$0x3] =	wrdreg s4  }
0x22: {  	[dreg:$0x4] =	wrdreg $0xC0  }
0x23: {  	_ =	task [dreg:s6], $0x5FFFF  }
0x24: {  	[dreg:$0x1] =	wrdreg $0xFFFFFFFF  }
0x25: {  	[dreg:$0x0] =	wrdreg $0x60  }
0x26: {  	[dreg:$0x2] =	wrdreg s25  }
0x27: {  	[dreg:$0x3] =	wrdreg $0x9  }
0x28: {  	_ =	task.clear_ibuf [dreg:s6], $0x4FFFF;
	_ =	strace $0x9000004F  }
0x29: {  	s29 =	simm.s32 $0x9;
	_ =	strace $0x80000051  }
0x2a: {  	_ =	swait.ge [sflag:s29], $0x1  }
0x2b: {  	[sflag:s29] =	ssyncadd.s32 $0xFFFFFFFF  }
0x2c: {  	_ =	strace $0x90000051  }
0x2d: {  	_ =	sfence  }
0x2e: {  	s30 =	sld [smem:$0x0];
	_ =	sdelay $0x2  }
0x2f: {  	s31 =	sshll.u32 s3, $0xD;
	s3 =	sshrl.u32 s3, $0x2  }
0x30: {  	s2 =	sand.u32 $0x4000, s31;
	s1 =	sadd.s32 s3, s30  }
0x31: {  	s0 =	sor.u32 s2, s0;
	s1 =	sshll.u32 s1, $0x11  }
0x32: {  	s0 =	sor.u32 s1, s0  }
0x33: {  	s0 =	sadd.s32 $0x8F2B, s0  }
0x34: {  	[sflag:s0] =	ssyncadd.remote.s32 $0x1  }
0x35: {  	_ =	sfence.sel $0xFFFF  }
0x36: {  	[dreg:$0x0] =	wrdreg $0xFFFFFFFF;
	(pc) =	sbr.abs _section_cstart, $3  }
0x37: {  	[dreg:$0x1] =	wrdreg $0xFFFFFFFF  }
0x38: {  	_ =	task.clear_ibuf [dreg:s6], $0x2FFFF;
	_ =	strace $0x9FFFFFFF  }
0x39: {  	(tm) =	ssettm $0x7FFFFFFF  }
tec
execute0_lowered:
.L_overlay_start_1:
0x0: {  	(tag) =	ssettag $0x1  }
0x1: {  	s0 =	srdreg.scid  }
0x2: {  	s1 =	sshll.u32 s0, $0x4  }
0x3: {  	s4 =	rddreg [dreg:$0x0];
	s0 =	stileid.u32;
	s1 =	sand.u32 $0x10, s1  }
0x4: {  	s7 =	simm.s32 $0x1;
	s8 =	simm.s32 $0x2;
	s1 =	sor.u32 s0, s1  }
0x5: {  	s11 =	simm.s32 $0x0;
	s10 =	simm.s32 $0x0;
	s2 =	sshll.u32 s1, $0x7  }
0x6: {  	s3 =	sadd.s32 $0x112C000, s4;
	s4 =	sadd.s32 $0x139E00, s4;
	s6 =	ssub.s32 $0x9C400, s2  }
.Ltmp0:
0x7: {  	s1 =	rddreg [dreg:$0x1];
	s5 =	sand.u32 $0xF80, s6;
	(pc) =	sbr.rel .LBB1_1-.Ltmp0, $4  }
0x8: {  	_ =	strace $0x80000050;
	s9 =	smov.u32 s2;
	p0 =	sne.s32 s5, $0x0  }
0x9: {  	s6 =	sshrl.u32 s6, $0xC;
	s5 =	simm.s32 $0x1;
	s7 =	simm.s32 @!p0 $0x0  }
0xa: {  	[sflag:s5] =	ssyncpa.u1 $0x0;
	p0 =	por $0x0, $0x0;
	s6 =	sadd.s32 s7, s6  }
0xb: {  	[sflag:s8] =	ssyncpa.u1 $0x0;
	s8 =	simm.s32 $0x4E2000;
	s7 =	sadd.s32 $0x1, s6  }
.LBB1_4:
0xc: {  	s14 =	sshll.u32 s11, $0x3  }
0xd: {  	s30 =	sand.u32 $0x7F, s11;
	s15 =	sand.u32 $0xFFFFFC00, s14  }
0xe: {  	s11 =	sor.u32 s30, s15  }
0xf: {  	s15 =	smulhi.u32 $0xD1B71759, s11  }
0x10: {  	s14 =	smulhi.u32 $0xD1B71759, s14  }
0x11: {  	s15 =	sshrl.u32 s15, $0x13  }
0x12: {  	s14 =	sshrl.u32 s14, $0x13;
	s15 =	smul.u32 $0x9C400, s15  }
0x13: {  	s14 =	sand.u32 $0x3F, s14  }
0x14: {  	s14 =	smul.u32 $0x13880, s14;
	s11 =	ssub.s32 s11, s15  }
0x15: {  	[tilespmem:s13+$0x810 ss:$0x81] =	vst.msk $0xffff, v2;
	s15 =	sand.u32 $0x7, s11  }
0x16: {  	[tilespmem:s13+$0x1020 ss:$0x81] =	vst.msk $0xffff, v0;
	s14 =	sadd.s32 s4, s14;
	s11 =	sshrl.u32 s11, $0x3;
	s15 =	sshll.u32 s15, $0x12  }
0x17: {  	[tilespmem:s13+$0x0 ss:$0x81] =	vst.msk $0xffff, v1;
	s11 =	sadd.s32 s11, s14;
	s31 =	sor.u32 $0x400, s15  }
0x18: {  	[hbm4b:s11+s31] =	stream.strided.scatter [tilespmem:s12], [sflag:$0x2], $0x2000, s8, s31, $0x20;
	[tilespmem:$0x8080] =	vst v63  }
.LBB1_5:
0x19: {  	s13 =	sadd.s32 $0x1000, s9  }
0x1a: {  	p2 =	sgt.s32 s13, $0x9C3FF  }
0x1b: {  	s13 =	smov.u32 @p2 s2;
	p2 =	sne.s32 s10, s7  }
.Ltmp1:
0x1c: {  	p1 =	slt.u32 s10, $0x2;
	(pc) =	sbr.rel @!p2 .LBB1_6-.Ltmp1, $4  }
0x1d: {  	s12 =	simm.s32 @!p1 $0x2  }
0x1e: {  	s14 =	sadd.s32 $0x1, s10;
	_ =	swait.ge @!p1 [sflag:s12], $0x2000  }
0x1f: {  	s11 =	smov.u32 s9;
	p0 =	por !p0, !p0;
	[sflag:s12] =	ssyncset.done @!p1 $0x0  }
0x20: {  	s10 =	smov.u32 s14;
	s9 =	smov.u32 s13;
	[sflag:s12] =	ssyncadd.s32 @!p1 $0xFFFFE000  }
.LBB1_1:
0x21: {  	p1 =	sge.u32 s10, s6  }
0x22: {  	s12 =	sand.u32 @!p1 $0x1FFFFFF, s9  }
0x23: {  	s13 =	smulhi.u32 @!p1 $0x1A36E2F, s12;
	_ =	sdelay $0x1  }
0x24: {  	s13 =	sshrl.u32 @!p1 s13, $0xC  }
0x25: {  	s13 =	smul.u32 @!p1 $0x9C400, s13;
	_ =	sdelay $0x1  }
0x26: {  	s31 =	sadd.s32 $0xFFFFFFFF, s10;
	s14 =	sxor.u32 @!p1 $0xFFFFFFFF, s10;
	s12 =	ssub.s32 @!p1 s12, s13  }
0x27: {  	s15 =	simm.s32 @!p1 $0x80;
	s14 =	sshll.u32 @!p1 s14, $0xD;
	s12 =	sshll.u32 @!p1 s12, $0x4  }
0x28: {  	s13 =	sand.u32 @!p1 $0x2000, s14;
	s14 =	simm.s32 @!p1 $0x40;
	s12 =	sadd.s32 @!p1 s3, s12  }
0x29: {  	[tilespmem:s13], [sflag:$0x1] =	stream.strided.gather @!p1 [hbm4b:s12+s14], $0x2000, s15, s14, $0x38;
	[tilespmem:$0x8080] =	vst v63  }
0x2a: {  	p1 =	sge.u32 s31, s6  }
.Ltmp2:
0x2b: {  	_ = 	snop;
	(pc) =	sbr.rel @p1 .LBB1_5-.Ltmp2, $1  }
0x2c: {  	_ =	sdelay $0x3  }
0x2d: {  	s12 =	simm.s32 $0x1  }
0x2e: {  	_ =	swait.ge [sflag:s5], $0x2000;
	s12 =	simm.s32 @!p0 $0x0  }
0x2f: {  	[sflag:s5] =	ssyncset.done $0x0;
	s13 =	sshll.u32 s12, $0xD  }
0x30: {  	[sflag:s5] =	ssyncadd.s32 $0xFFFFE000;
	s16 =	sor.u32 $0x20, s13  }
0x31: {  	s12 =	smul.u32 $0x8100, s12;
	v3 =	vld [tilespmem:s16+$0x10]  }
0x32: {  	s30 =	sand.u32 $0x1, s10;
	v2 =	vld [tilespmem:s16+$0xFFFFFFF0]  }
0x33: {  	s13 =	smul.u32 $0x8100, s30;
	s12 =	sshrl.u32 s12, $0x2;
	v0 =	vld [tilespmem:s16+$0x0]  }
0x34: {  	v1 =	vld [tilespmem:s16+$0xFFFFFFE0];
	s14 =	sor.u32 $0x4000, s12  }
0x35: {  	s31 =	sshrl.u32 s13, $0x2;
	s13 =	sadd.s32 $0x0, s14  }
0x36: {  	s15 =	simm.s32 $0x4;
	s16 =	sadd.s32 $0x40, s16;
	s12 =	sor.u32 $0x4000, s31;
	[tilespmem:s13+$0x1830 ss:$0x81] =	vst.msk $0xffff, v3  }
.LBB1_3:
0x37: {  	v3 =	vld [tilespmem:s16+$0x10];
	p1 =	sne.s32 s15, $0x1FC;
	[tilespmem:s13+$0x810 ss:$0x81] =	vst.msk $0xffff, v2;
	s17 =	smov.u32 s15;
	s15 =	sadd.s32 $0x4, s15  }
.Ltmp3:
0x38: {  	v2 =	vld [tilespmem:s16+$0xFFFFFFF0];
	[tilespmem:s13+$0x1020 ss:$0x81] =	vst.msk $0xffff, v0;
	(pc) =	sbr.rel @p1 .LBB1_3-.Ltmp3, $4  }
0x39: {  	v0 =	vld [tilespmem:s16+$0x0];
	[tilespmem:s13+$0x0 ss:$0x81] =	vst.msk $0xffff, v1  }
0x3a: {  	s13 =	sshra.s32 s17, $0x2;
	v1 =	vld [tilespmem:s16+$0xFFFFFFE0]  }
0x3b: {  	s13 =	sadd.s32 s13, s14  }
0x3c: {  	s16 =	sadd.s32 $0x40, s16;
	[tilespmem:s13+$0x1830 ss:$0x81] =	vst.msk $0xffff, v3  }
.Ltmp4:
0x3d: {  	_ = 	snop;
	(pc) =	sbr.rel .LBB1_4-.Ltmp4, $1  }
0x3e: {  	_ =	sdelay $0x3  }
.LBB1_6:
0x3f: {  	_ =	sfence.sel $0x180000  }
0x40: {  	s2 =	simm.s32 $0x1;
	[bflag:$0x0] =	sbarrier.arrive $0xFFFF  }
0x41: {  	s31 =	simm.s32 $0x2;
	[sflag:s2] =	ssyncpa.u1 $0x1  }
0x42: {  	[sflag:s31] =	ssyncpa.u1 $0x1  }
0x43: {  	p0 =	sne.s32 s0, $0x0;
	_ =	strace $0x90000050  }
0x44: {  	s0 =	sadd.s32 @!p0 $0x100000, s1;
	[bflag:$0x2] =	sbarrier.arrive $0xFFFF  }
0x45: {  	[sflag:s0] =	ssyncadd.tile.s32 @!p0 $0x1;
	_ =	shalt  }
.Lfunc_end1:
_tile_overlayer_lowered:
.L_overlay_start_2:
0x46: {  	(tag) =	ssettag $0x2  }
0x47: {  	s0 =	rddreg [dreg:$0x0];
	s2 =	stileid.u32  }
0x48: {  	s1 =	rddreg [dreg:$0x1];
	p0 =	sne.s32 s2, $0x0  }
0x49: {  	s3 =	rddreg [dreg:$0x2];
	[bflag:$0x3] =	sbarrier.arrive $0xFFFF;
	s2 =	simm.s32 @!p0 $0x1C01  }
0x4a: {  	[timem:s3], [sflag:s2] =	dma.local @!p0 [hbm:s0], s1  }
0x4b: {  	s0 =	simm.s32 @!p0 $0x1  }
0x4c: {  	_ =	swait.ge @!p0 [sflag:s0], s1  }
0x4d: {  	s1 =	ssub.s32 @!p0 $0x0, s1;
	[sflag:s0] =	ssyncset.done @!p0 $0x0  }
0x4e: {  	[sflag:s0] =	ssyncadd.s32 @!p0 s1  }
0x4f: {  	[bflag:$0x3] =	sbarrier.arrive $0xFFFF  }
0x50: {  	_ =	shalt  }

// kernel: sparse-core-data-format-call.2.cloned.1.call-start
scs
called_computation.2_lowered:
.L_overlay_start_0:
0x0: {  	s2 =	sld [smem:$0x3FD9]  }
0x1: {  	s3 =	sld [smem:$0x3FFE];
	_ =	sdelay $0x1  }
0x2: {  	s1 =	srdreg.scid  }
0x3: {  	s0 =	sand.u32 $0x1, s1  }
0x4: {  	s18 =	sshll.u32 s0, $0xA;
	s2 =	sadd.s32 s3, s2  }
0x5: {  	s2 =	sadd.s32 s2, s18  }
0x6: {  	[smem:$0x3FC5] =	sst s2  }
0x7: {  	_ = 	snop  }
0x8: {  	s2 =	sld [smem:$0x3FD0];
	(tm) =	ssettm $0x1  }
0x9: {  	s19 =	sld [smem:$0x3FFB];
	_ =	sdelay $0x3  }
0xa: {  	_ =	strace s19  }
0xb: {  	s3 =	sld [smem:$0x3FFC];
	_ =	sdelay $0x3  }
0xc: {  	_ =	strace s3  }
0xd: {  	s3 =	sld [smem:$0x3FFD];
	_ =	sdelay $0x3  }
0xe: {  	_ =	strace s3  }
0xf: {  	_ =	strace $0x8FFFFFFF  }
0x10: {  	s20 =	sld [smem:$0x3FDB];
	_ =	sdelay $0x1  }
0x11: {  	s4 =	simm.s32 $_scs_section_size  }
0x12: {  	s5 =	simm.s32 $_size__tile_overlayer_lowered;
	s6 =	simm.s32 $_tile_overlayer_lowered  }
0x13: {  	s23 =	simm.s32 $0x1BFF;
	s22 =	sshll.u32 s6, $0x1;
	s3 =	sadd.s32 s4, s20  }
0x14: {  	s7 =	simm.s32 $0x0;
	s21 =	sshll.u32 s5, $0x1;
	s5 =	sadd.s32 s22, s3  }
0x15: {  	[timem:s7], [sflag:s23] =	dma.local [hbm:s5], s21  }
0x16: {  	_ =	swait.ge [sflag:s23], s21  }
0x17: {  	s4 =	ssub.s32 $0x0, s21;
	[sflag:s23] =	ssyncset.done $0x0  }
0x18: {  	[sflag:s23] =	ssyncadd.s32 s4;
	_ =	sdelay $0x1  }
0x19: {  	s24 =	simm.s32 $0x1B8B  }
0x1a: {  	_ =	swait.ge [sflag:s24], $0x1  }
0x1b: {  	[sflag:s24] =	ssyncset.done $0x0  }
0x1c: {  	s26 =	simm.s32 $0x1B8E;
	s25 =	sld [smem:$0x3FFE];
	[sflag:s24] =	ssyncadd.s32 $0xFFFFFFFF  }
0x1d: {  	s27 =	simm.s32 $execute0_lowered;
	[smem:$0x3FD2] =	sst s26  }
0x1e: {  	s5 =	sshll.u32 s27, $0x1;
	_ =	strace $0x80000049;
	[dreg:$0x1] =	wrdreg $0xFFFFFFFF  }
0x1f: {  	s28 =	simm.s32 $_size_execute0_lowered;
	s3 =	sadd.s32 s3, s5;
	[dreg:$0x0] =	wrdreg $0x0  }
0x20: {  	s5 =	sshll.u32 s28, $0x1;
	[dreg:$0x2] =	wrdreg s3  }
0x21: {  	[dreg:$0x3] =	wrdreg s5  }
0x22: {  	[dreg:$0x4] =	wrdreg $0xC0  }
0x23: {  	_ =	task [dreg:s7], $0x5FFFF  }
0x24: {  	[dreg:$0x1] =	wrdreg $0xFFFFFFFF  }
0x25: {  	[dreg:$0x0] =	wrdreg $0x60  }
0x26: {  	[dreg:$0x2] =	wrdreg s25  }
0x27: {  	[dreg:$0x3] =	wrdreg s2  }
0x28: {  	[dreg:$0x4] =	wrdreg $0x9  }
0x29: {  	_ =	task.clear_ibuf [dreg:s7], $0x5FFFF;
	_ =	strace $0x90000049  }
0x2a: {  	s29 =	simm.s32 $0x9;
	_ =	strace $0x8000004B  }
0x2b: {  	_ =	swait.ge [sflag:s29], $0x1  }
0x2c: {  	[sflag:s29] =	ssyncadd.s32 $0xFFFFFFFF  }
0x2d: {  	_ =	strace $0x9000004B  }
0x2e: {  	_ =	sfence  }
0x2f: {  	s30 =	sld [smem:$0x0];
	_ =	sdelay $0x2  }
0x30: {  	s31 =	sshll.u32 s1, $0xD;
	s1 =	sshrl.u32 s1, $0x2  }
0x31: {  	s3 =	sand.u32 $0x4000, s31;
	s1 =	sadd.s32 s1, s30  }
0x32: {  	s0 =	sor.u32 s3, s0;
	s1 =	sshll.u32 s1, $0x11  }
0x33: {  	s0 =	sor.u32 s1, s0  }
0x34: {  	s0 =	sadd.s32 $0x8F2B, s0  }
0x35: {  	[sflag:s0] =	ssyncadd.remote.s32 $0x1  }
0x36: {  	_ =	sfence.sel $0xFFFF  }
0x37: {  	[dreg:$0x0] =	wrdreg $0xFFFFFFFF;
	(pc) =	sbr.abs _section_cstart, $3  }
0x38: {  	[dreg:$0x1] =	wrdreg $0xFFFFFFFF  }
0x39: {  	_ =	task.clear_ibuf [dreg:s7], $0x2FFFF;
	_ =	strace $0x9FFFFFFF  }
0x3a: {  	(tm) =	ssettm $0x7FFFFFFF  }
0x3b: {  	_ =	shalt  }
tec
execute0_lowered:
.L_overlay_start_1:
0x0: {  	(tag) =	ssettag $0x1  }
0x1: {  	s0 =	srdreg.scid;
	s6 =	rddreg [dreg:$0x0]  }
0x2: {  	s3 =	rddreg [dreg:$0x1];
	s1 =	sshll.u32 s0, $0x4  }
0x3: {  	s7 =	simm.s32 $0x1;
	s0 =	stileid.u32;
	s1 =	sand.u32 $0x10, s1  }
0x4: {  	s8 =	simm.s32 $0x2;
	s13 =	simm.s32 $0x0;
	s1 =	sor.u32 s0, s1  }
0x5: {  	s12 =	simm.s32 $0x0;
	s10 =	simm.s32 $0x0;
	s2 =	sshll.u32 s1, $0x8  }
0x6: {  	s11 =	simm.s32 $0x0;
	s6 =	sadd.s32 $0x272600, s6;
	s5 =	ssub.s32 $0x27100, s2  }
.Ltmp0:
0x7: {  	s1 =	rddreg [dreg:$0x2];
	s4 =	sand.u32 $0x1F00, s5;
	(pc) =	sbr.rel .LBB1_1-.Ltmp0, $4  }
0x8: {  	_ =	strace $0x8000004A;
	s9 =	smov.u32 s2;
	p0 =	sne.s32 s4, $0x0  }
0x9: {  	s5 =	sshrl.u32 s5, $0xD;
	s4 =	simm.s32 $0x1;
	s7 =	simm.s32 @!p0 $0x0  }
0xa: {  	[sflag:s4] =	ssyncpa.u1 $0x0;
	p0 =	por $0x0, $0x0;
	s5 =	sadd.s32 s7, s5  }
0xb: {  	[sflag:s8] =	ssyncpa.u1 $0x0;
	s8 =	simm.s32 $0x80;
	s7 =	sadd.s32 $0x1, s5  }
.LBB1_4:
0xc: {  	_ =	sdelay $0x3  }
0xd: {  	s21 =	sor.u32 s24, s23;
	v47 =	vld.idx.msk [tilespmem:v0+s16+$0x470 ss:$0x1], $0xffff  }
0xe: {  	v57 =	vld.idx.msk [tilespmem:v0+s21+$0x410 ss:$0x1], $0xffff  }
0xf: {  	v58 =	vld.idx.msk [tilespmem:v0+s21+$0x420 ss:$0x1], $0xffff  }
0x10: {  	[tilespmem:s18+$0x1860 ss:$0x41] =	vst.msk $0xffff, v8;
	v59 =	vld.idx.msk [tilespmem:v0+s21+$0x430 ss:$0x1], $0xffff  }
0x11: {  	[tilespmem:s18+$0x1C70 ss:$0x41] =	vst.msk $0xffff, v7;
	v60 =	vld.idx.msk [tilespmem:v0+s21+$0x440 ss:$0x1], $0xffff  }
0x12: {  	[tilespmem:s18+$0x2490 ss:$0x41] =	vst.msk $0xffff, v1;
	s22 =	sand.u32 $0x3B00, s21;
	v61 =	vld.idx.msk [tilespmem:v0+s21+$0x450 ss:$0x1], $0xffff  }
0x13: {  	s20 =	sand.u32 $0x80, s20;
	[tilespmem:s18+$0x28A0 ss:$0x41] =	vst.msk $0xffff, v2;
	v62 =	vld.idx.msk [tilespmem:v0+s21+$0x460 ss:$0x1], $0xffff;
	s15 =	sadd.s32 s22, s15  }
0x14: {  	[tilespmem:s18+$0x2CB0 ss:$0x41] =	vst.msk $0xffff, v3;
	v63 =	vld.idx.msk [tilespmem:v0+s21+$0x470 ss:$0x1], $0xffff;
	s15 =	sadd.s32 s20, s15  }
0x15: {  	[tilespmem:s18+$0x30C0 ss:$0x41] =	vst.msk $0xffff, v4;
	v48 =	vld [tilespmem:s15+$0x400]  }
0x16: {  	[tilespmem:s18+$0x34D0 ss:$0x41] =	vst.msk $0xffff, v5;
	v49 =	vld [tilespmem:s15+$0x0]  }
0x17: {  	s25 =	sshra.s32 s19, $0x2;
	[tilespmem:s18+$0x38E0 ss:$0x41] =	vst.msk $0xffff, v6;
	v50 =	vld [tilespmem:s15+$0x10]  }
0x18: {  	s16 =	sadd.s32 s25, s17;
	v51 =	vld [tilespmem:s15+$0x20];
	[tilespmem:s18+$0x3CF0 ss:$0x41] =	vst.msk $0xffff, v47  }
0x19: {  	v52 =	vld [tilespmem:s15+$0x30];
	[tilespmem:s16+$0x2490 ss:$0x41] =	vst.msk $0xffff, v57  }
0x1a: {  	v53 =	vld [tilespmem:s15+$0x40];
	[tilespmem:s16+$0x28A0 ss:$0x41] =	vst.msk $0xffff, v58  }
0x1b: {  	v54 =	vld [tilespmem:s15+$0x50];
	[tilespmem:s16+$0x2CB0 ss:$0x41] =	vst.msk $0xffff, v59  }
0x1c: {  	s13 =	sshll.u32 s13, $0x7;
	s26 =	sshll.u32 s12, $0x3;
	v55 =	vld [tilespmem:s15+$0x60];
	[tilespmem:s16+$0x30C0 ss:$0x41] =	vst.msk $0xffff, v60  }
0x1d: {  	s27 =	sand.u32 $0xFFFFFC00, s13;
	v56 =	vld [tilespmem:s15+$0x70];
	s15 =	sand.u32 $0xFFFFFC00, s26;
	[tilespmem:s16+$0x34D0 ss:$0x41] =	vst.msk $0xffff, v61  }
0x1e: {  	s13 =	sand.u32 $0x380, s13;
	s15 =	sadd.s32 s15, s27;
	[tilespmem:s16+$0x38E0 ss:$0x41] =	vst.msk $0xffff, v62  }
0x1f: {  	s13 =	sor.u32 s13, s15;
	[tilespmem:s16+$0x3CF0 ss:$0x41] =	vst.msk $0xffff, v63  }
0x20: {  	s13 =	sshrl.u32 s13, $0x7;
	[tilespmem:s16+$0x2080 ss:$0x41] =	vst.msk $0xffff, v48  }
0x21: {  	s28 =	smulhi.u32 $0x1A36E2F, s13;
	[tilespmem:s16+$0x0 ss:$0x41] =	vst.msk $0xffff, v49  }
0x22: {  	[tilespmem:s16+$0x410 ss:$0x41] =	vst.msk $0xffff, v50  }
0x23: {  	[tilespmem:s16+$0x820 ss:$0x41] =	vst.msk $0xffff, v51;
	s15 =	sshrl.u32 s28, $0xA  }
0x24: {  	[tilespmem:s16+$0xC30 ss:$0x41] =	vst.msk $0xffff, v52;
	s15 =	smul.u32 $0x27100, s15  }
0x25: {  	s29 =	sshrl.u32 s12, $0x3;
	[tilespmem:s16+$0x1040 ss:$0x41] =	vst.msk $0xffff, v53  }
0x26: {  	s31 =	sand.u32 $0x7, s12;
	s30 =	sand.u32 $0xF, s29;
	[tilespmem:s16+$0x1450 ss:$0x41] =	vst.msk $0xffff, v54;
	s13 =	ssub.s32 s13, s15  }
0x27: {  	s12 =	sshll.u32 s31, $0x12;
	[tilespmem:s16+$0x1860 ss:$0x41] =	vst.msk $0xffff, v55;
	s15 =	sadd.s32 s3, s30;
	s13 =	sshll.u32 s13, $0x4  }
0x28: {  	s12 =	sor.u32 $0x40, s12;
	[tilespmem:s16+$0x1C70 ss:$0x41] =	vst.msk $0xffff, v56;
	s13 =	sadd.s32 s13, s15  }
0x29: {  	[hbm4b:s13+s12] =	stream.strided.scatter [tilespmem:s14], [sflag:$0x2], $0x4000, s8, s12, $0x18;
	[tilespmem:$0x10200] =	vst v63  }
.LBB1_5:
0x2a: {  	s14 =	sadd.s32 $0x2000, s9  }
0x2b: {  	s12 =	sadd.s32 $0x40, s10;
	s16 =	smov.u32 s10;
	p2 =	sgt.s32 s14, $0x270FF  }
0x2c: {  	s16 =	smov.u32 @p2 s12  }
0x2d: {  	s14 =	smov.u32 @p2 s2;
	p2 =	sgt.s32 s16, $0x3F  }
0x2e: {  	s16 =	simm.s32 @p2 $0x0;
	p2 =	sne.s32 s11, s7  }
.Ltmp1:
0x2f: {  	p1 =	slt.u32 s11, $0x2;
	(pc) =	sbr.rel @!p2 .LBB1_6-.Ltmp1, $4  }
0x30: {  	s15 =	simm.s32 @!p1 $0x2  }
0x31: {  	s13 =	smov.u32 s9;
	p0 =	por !p0, !p0;
	_ =	swait.ge @!p1 [sflag:s15], $0x4000  }
0x32: {  	s12 =	smov.u32 s10;
	[sflag:s15] =	ssyncset.done @!p1 $0x0;
	s9 =	smov.u32 s14  }
0x33: {  	s11 =	sadd.s32 $0x1, s11;
	[sflag:s15] =	ssyncadd.s32 @!p1 $0xFFFFC000;
	s10 =	smov.u32 s16  }
.LBB1_1:
0x34: {  	p1 =	sge.u32 s11, s5  }
0x35: {  	s14 =	sshrl.u32 @!p1 s10, $0x3  }
0x36: {  	s15 =	sshll.u32 @!p1 s9, $0x3;
	s14 =	smul.u32 @!p1 $0x138800, s14  }
0x37: {  	s16 =	sshll.u32 @!p1 s10, $0x7;
	s15 =	sand.u32 @!p1 $0xFFFFFC00, s15  }
0x38: {  	s14 =	sadd.s32 @!p1 s14, s15;
	s15 =	sand.u32 @!p1 $0x380, s16  }
0x39: {  	s16 =	sand.u32 @!p1 $0x7F, s9;
	s14 =	sor.u32 @!p1 s15, s14  }
0x3a: {  	s15 =	sor.u32 @!p1 s16, s14  }
0x3b: {  	s16 =	smulhi.u32 @!p1 $0xD1B71759, s15;
	_ =	sdelay $0x1  }
0x3c: {  	s14 =	smulhi.u32 @!p1 $0xD1B71759, s14;
	s16 =	sshrl.u32 @!p1 s16, $0x11  }
0x3d: {  	s16 =	smul.u32 @!p1 $0x27100, s16  }
0x3e: {  	s31 =	sadd.s32 $0xFFFFFFFF, s11;
	s17 =	sxor.u32 @!p1 $0xFFFFFFFF, s11;
	s14 =	sshrl.u32 @!p1 s14, $0x11  }
0x3f: {  	s17 =	sshll.u32 @!p1 s17, $0xE;
	s14 =	sand.u32 @!p1 $0x3F, s14;
	s15 =	ssub.s32 @!p1 s15, s16  }
0x40: {  	s14 =	smul.u32 @!p1 $0x4E20, s14;
	s16 =	sshrl.u32 @!p1 s15, $0x3;
	s15 =	sand.u32 @!p1 $0x7, s15  }
0x41: {  	s17 =	sand.u32 @!p1 $0x4000, s17;
	s16 =	sadd.s32 @!p1 s6, s16;
	s15 =	sshll.u32 @!p1 s15, $0x12  }
0x42: {  	s14 =	sadd.s32 @!p1 s14, s16;
	s15 =	sor.u32 @!p1 $0x800, s15;
	s16 =	simm.s32 @!p1 $0x138800  }
0x43: {  	[tilespmem:s17], [sflag:$0x1] =	stream.strided.gather @!p1 [hbm4b:s14+s15], $0x4000, s16, s15, $0x38;
	[tilespmem:$0x10200] =	vst v63  }
0x44: {  	p1 =	sge.u32 s31, s5  }
.Ltmp2:
0x45: {  	_ = 	snop;
	(pc) =	sbr.rel @p1 .LBB1_5-.Ltmp2, $1  }
0x46: {  	_ =	sdelay $0x3  }
0x47: {  	s17 =	simm.s32 $0x0  }
0x48: {  	s16 =	sand.u32 $0x3800, s17;
	s18 =	sand.u32 $0x380, s17  }
0x49: {  	s14 =	sand.u32 $0x1, s11;
	s16 =	sor.u32 s18, s16  }
0x4a: {  	_ =	swait.ge [sflag:s4], $0x4000;
	s15 =	sshll.u32 s14, $0xE;
	s18 =	sand.u32 $0x3B00, s16  }
0x4b: {  	[sflag:s4] =	ssyncset.done $0x0;
	s17 =	sand.u32 $0x80, s17;
	s18 =	sadd.s32 s18, s15  }
0x4c: {  	[sflag:s4] =	ssyncadd.s32 $0xFFFFC000;
	s20 =	sadd.s32 s17, s18  }
0x4d: {  	v4 =	vld [tilespmem:s20+$0x400]  }
0x4e: {  	s19 =	simm.s32 $0x1;
	v5 =	vld [tilespmem:s20+$0x0]  }
0x4f: {  	s19 =	simm.s32 @!p0 $0x0;
	v6 =	vld [tilespmem:s20+$0x10]  }
0x50: {  	v0 =	vmov s15;
	s31 =	smul.u32 $0x10400, s19;
	v7 =	vld [tilespmem:s20+$0x20]  }
0x51: {  	v9 =	vld [tilespmem:s20+$0x30]  }
0x52: {  	s17 =	sshrl.u32 s31, $0x2;
	v10 =	vld [tilespmem:s20+$0x40]  }
0x53: {  	s17 =	sor.u32 $0x8000, s17;
	v11 =	vld [tilespmem:s20+$0x50]  }
0x54: {  	v8 =	vld [tilespmem:s20+$0x60];
	s18 =	sadd.s32 $0x0, s17  }
0x55: {  	v1 =	vld.idx.msk [tilespmem:v0+s16+$0x410 ss:$0x1], $0xffff;
	[tilespmem:s18+$0x2080 ss:$0x41] =	vst.msk $0xffff, v4  }
0x56: {  	v2 =	vld.idx.msk [tilespmem:v0+s16+$0x420 ss:$0x1], $0xffff;
	[tilespmem:s18+$0x0 ss:$0x41] =	vst.msk $0xffff, v5  }
0x57: {  	v3 =	vld.idx.msk [tilespmem:v0+s16+$0x430 ss:$0x1], $0xffff;
	[tilespmem:s18+$0x410 ss:$0x41] =	vst.msk $0xffff, v6  }
0x58: {  	s14 =	smul.u32 $0x10400, s14;
	[tilespmem:s18+$0x820 ss:$0x41] =	vst.msk $0xffff, v7;
	v7 =	vld [tilespmem:s20+$0x70]  }
0x59: {  	s21 =	simm.s32 $0x100;
	s22 =	simm.s32 $0x8;
	[tilespmem:s18+$0xC30 ss:$0x41] =	vst.msk $0xffff, v9;
	v4 =	vld.idx.msk [tilespmem:v0+s16+$0x440 ss:$0x1], $0xffff  }
0x5a: {  	s23 =	sand.u32 $0x3800, s21;
	s14 =	sshrl.u32 s14, $0x2;
	[tilespmem:s18+$0x1040 ss:$0x41] =	vst.msk $0xffff, v10;
	v5 =	vld.idx.msk [tilespmem:v0+s16+$0x450 ss:$0x1], $0xffff;
	s20 =	simm.s32 $0x80  }
0x5b: {  	s19 =	simm.s32 $0x4;
	s14 =	sor.u32 $0x8000, s14;
	[tilespmem:s18+$0x1450 ss:$0x41] =	vst.msk $0xffff, v11;
	v6 =	vld.idx.msk [tilespmem:v0+s16+$0x460 ss:$0x1], $0xffff;
	s24 =	sand.u32 $0x380, s20  }
.LBB1_3:
0x5c: {  	p1 =	sne.s32 s22, $0xFC;
	[tilespmem:s18+$0x1860 ss:$0x41] =	vst.msk $0xffff, v8;
	v8 =	vld.idx.msk [tilespmem:v0+s16+$0x470 ss:$0x1], $0xffff;
	s16 =	sor.u32 s24, s23  }
0x5d: {  	s23 =	sand.u32 $0x3B00, s16;
	v9 =	vld.idx.msk [tilespmem:v0+s16+$0x410 ss:$0x1], $0xffff;
	[tilespmem:s18+$0x1C70 ss:$0x41] =	vst.msk $0xffff, v7  }
0x5e: {  	s24 =	sand.u32 $0x80, s20;
	s23 =	sadd.s32 s23, s15;
	v7 =	vld.idx.msk [tilespmem:v0+s16+$0x420 ss:$0x1], $0xffff;
	[tilespmem:s18+$0x2490 ss:$0x41] =	vst.msk $0xffff, v1  }
0x5f: {  	s23 =	sadd.s32 s24, s23;
	v10 =	vld.idx.msk [tilespmem:v0+s16+$0x430 ss:$0x1], $0xffff;
	[tilespmem:s18+$0x28A0 ss:$0x41] =	vst.msk $0xffff, v2  }
0x60: {  	v11 =	vld [tilespmem:s23+$0x400];
	[tilespmem:s18+$0x2CB0 ss:$0x41] =	vst.msk $0xffff, v3  }
0x61: {  	v12 =	vld [tilespmem:s23+$0x0];
	[tilespmem:s18+$0x30C0 ss:$0x41] =	vst.msk $0xffff, v4  }
0x62: {  	v4 =	vld [tilespmem:s23+$0x10];
	[tilespmem:s18+$0x34D0 ss:$0x41] =	vst.msk $0xffff, v5  }
0x63: {  	s24 =	sshra.s32 s19, $0x2;
	s19 =	smov.u32 s22;
	v1 =	vmov v9;
	v5 =	vld [tilespmem:s23+$0x20];
	[tilespmem:s18+$0x38E0 ss:$0x41] =	vst.msk $0xffff, v6  }
0x64: {  	v2 =	vmov v7;
	v6 =	vld [tilespmem:s23+$0x30];
	[tilespmem:s18+$0x3CF0 ss:$0x41] =	vst.msk $0xffff, v8;
	s18 =	sadd.s32 s24, s17  }
0x65: {  	v3 =	vmov v10;
	v9 =	vld [tilespmem:s23+$0x40];
	[tilespmem:s18+$0x2080 ss:$0x41] =	vst.msk $0xffff, v11  }
0x66: {  	[tilespmem:s18+$0x0 ss:$0x41] =	vst.msk $0xffff, v12;
	v10 =	vld [tilespmem:s23+$0x50]  }
.Ltmp3:
0x67: {  	[tilespmem:s18+$0x410 ss:$0x41] =	vst.msk $0xffff, v4;
	v8 =	vld [tilespmem:s23+$0x60];
	(pc) =	sbr.rel @p1 .LBB1_3-.Ltmp3, $4  }
0x68: {  	[tilespmem:s18+$0x820 ss:$0x41] =	vst.msk $0xffff, v5;
	v7 =	vld [tilespmem:s23+$0x70]  }
0x69: {  	[tilespmem:s18+$0xC30 ss:$0x41] =	vst.msk $0xffff, v6;
	v4 =	vld.idx.msk [tilespmem:v0+s16+$0x440 ss:$0x1], $0xffff  }
0x6a: {  	s20 =	sadd.s32 $0x80, s20;
	s21 =	sadd.s32 $0x100, s21;
	[tilespmem:s18+$0x1040 ss:$0x41] =	vst.msk $0xffff, v9;
	v5 =	vld.idx.msk [tilespmem:v0+s16+$0x450 ss:$0x1], $0xffff  }
0x6b: {  	s22 =	sadd.s32 $0x4, s22;
	s24 =	sand.u32 $0x380, s20;
	s23 =	sand.u32 $0x3800, s21;
	[tilespmem:s18+$0x1450 ss:$0x41] =	vst.msk $0xffff, v10;
	v6 =	vld.idx.msk [tilespmem:v0+s16+$0x460 ss:$0x1], $0xffff  }
.Ltmp4:
0x6c: {  	_ = 	snop;
	(pc) =	sbr.rel .LBB1_4-.Ltmp4, $1  }
0x6d: {  	_ =	sdelay $0x3  }
.LBB1_6:
0x6e: {  	_ =	sfence.sel $0x180000  }
0x6f: {  	s2 =	simm.s32 $0x1;
	[bflag:$0x0] =	sbarrier.arrive $0xFFFF  }
0x70: {  	s31 =	simm.s32 $0x2;
	[sflag:s2] =	ssyncpa.u1 $0x1  }
0x71: {  	[sflag:s31] =	ssyncpa.u1 $0x1  }
0x72: {  	p0 =	sne.s32 s0, $0x0;
	_ =	strace $0x9000004A  }
0x73: {  	s0 =	sadd.s32 @!p0 $0x100000, s1;
	[bflag:$0x2] =	sbarrier.arrive $0xFFFF  }
0x74: {  	[sflag:s0] =	ssyncadd.tile.s32 @!p0 $0x1;
	_ =	shalt  }
.Lfunc_end1:
_tile_overlayer_lowered:
.L_overlay_start_2:
0x75: {  	(tag) =	ssettag $0x2  }
0x76: {  	s0 =	rddreg [dreg:$0x0];
	s2 =	stileid.u32  }
0x77: {  	s1 =	rddreg [dreg:$0x1];
	p0 =	sne.s32 s2, $0x0  }
0x78: {  	s3 =	rddreg [dreg:$0x2];
	[bflag:$0x3] =	sbarrier.arrive $0xFFFF;
	s2 =	simm.s32 @!p0 $0x1C01  }
0x79: {  	[timem:s3], [sflag:s2] =	dma.local @!p0 [hbm:s0], s1  }
0x7a: {  	s0 =	simm.s32 @!p0 $0x1  }
0x7b: {  	_ =	swait.ge @!p0 [sflag:s0], s1  }
0x7c: {  	s1 =	ssub.s32 @!p0 $0x0, s1;
	[sflag:s0] =	ssyncset.done @!p0 $0x0  }
0x7d: {  	[sflag:s0] =	ssyncadd.s32 @!p0 s1  }
0x7e: {  	[bflag:$0x3] =	sbarrier.arrive $0xFFFF  }
0x7f: {  	_ =	shalt  }

// kernel: sparse-core-data-format-call.3.cloned.1.call-start
scs
called_computation.3_lowered:
.L_overlay_start_0:
0x0: {  	s2 =	sld [smem:$0x3FD9]  }
0x1: {  	s3 =	sld [smem:$0x3FFE];
	_ =	sdelay $0x1  }
0x2: {  	s1 =	srdreg.scid  }
0x3: {  	s0 =	sand.u32 $0x1, s1  }
0x4: {  	s18 =	sshll.u32 s0, $0xA;
	s2 =	sadd.s32 s3, s2  }
0x5: {  	s2 =	sadd.s32 s2, s18  }
0x6: {  	[smem:$0x3FC5] =	sst s2  }
0x7: {  	_ = 	snop  }
0x8: {  	s2 =	sld [smem:$0x3FD0];
	(tm) =	ssettm $0x1  }
0x9: {  	s19 =	sld [smem:$0x3FFB];
	_ =	sdelay $0x3  }
0xa: {  	_ =	strace s19  }
0xb: {  	s3 =	sld [smem:$0x3FFC];
	_ =	sdelay $0x3  }
0xc: {  	_ =	strace s3  }
0xd: {  	s3 =	sld [smem:$0x3FFD];
	_ =	sdelay $0x3  }
0xe: {  	_ =	strace s3  }
0xf: {  	_ =	strace $0x8FFFFFFF  }
0x10: {  	s20 =	sld [smem:$0x3FDB];
	_ =	sdelay $0x1  }
0x11: {  	s4 =	simm.s32 $_scs_section_size  }
0x12: {  	s5 =	simm.s32 $_size__tile_overlayer_lowered;
	s6 =	simm.s32 $_tile_overlayer_lowered  }
0x13: {  	s23 =	simm.s32 $0x1BFF;
	s22 =	sshll.u32 s6, $0x1;
	s3 =	sadd.s32 s4, s20  }
0x14: {  	s7 =	simm.s32 $0x0;
	s21 =	sshll.u32 s5, $0x1;
	s5 =	sadd.s32 s22, s3  }
0x15: {  	[timem:s7], [sflag:s23] =	dma.local [hbm:s5], s21  }
0x16: {  	_ =	swait.ge [sflag:s23], s21  }
0x17: {  	s4 =	ssub.s32 $0x0, s21;
	[sflag:s23] =	ssyncset.done $0x0  }
0x18: {  	[sflag:s23] =	ssyncadd.s32 s4;
	_ =	sdelay $0x1  }
0x19: {  	s24 =	simm.s32 $0x1B8B  }
0x1a: {  	_ =	swait.ge [sflag:s24], $0x1  }
0x1b: {  	[sflag:s24] =	ssyncset.done $0x0  }
0x1c: {  	s26 =	simm.s32 $0x1B8E;
	s25 =	sld [smem:$0x3FFE];
	[sflag:s24] =	ssyncadd.s32 $0xFFFFFFFF  }
0x1d: {  	s27 =	simm.s32 $execute0_lowered;
	[smem:$0x3FD2] =	sst s26  }
0x1e: {  	s5 =	sshll.u32 s27, $0x1;
	_ =	strace $0x80000046;
	[dreg:$0x1] =	wrdreg $0xFFFFFFFF  }
0x1f: {  	s28 =	simm.s32 $_size_execute0_lowered;
	s3 =	sadd.s32 s3, s5;
	[dreg:$0x0] =	wrdreg $0x0  }
0x20: {  	s5 =	sshll.u32 s28, $0x1;
	[dreg:$0x2] =	wrdreg s3  }
0x21: {  	[dreg:$0x3] =	wrdreg s5  }
0x22: {  	[dreg:$0x4] =	wrdreg $0xC0  }
0x23: {  	_ =	task [dreg:s7], $0x5FFFF  }
0x24: {  	[dreg:$0x1] =	wrdreg $0xFFFFFFFF  }
0x25: {  	[dreg:$0x0] =	wrdreg $0x60  }
0x26: {  	[dreg:$0x2] =	wrdreg s2  }
0x27: {  	[dreg:$0x3] =	wrdreg s25  }
0x28: {  	[dreg:$0x4] =	wrdreg $0x9  }
0x29: {  	_ =	task.clear_ibuf [dreg:s7], $0x5FFFF;
	_ =	strace $0x90000046  }
0x2a: {  	s29 =	simm.s32 $0x9;
	_ =	strace $0x80000048  }
0x2b: {  	_ =	swait.ge [sflag:s29], $0x1  }
0x2c: {  	[sflag:s29] =	ssyncadd.s32 $0xFFFFFFFF  }
0x2d: {  	_ =	strace $0x90000048  }
0x2e: {  	_ =	sfence  }
0x2f: {  	s30 =	sld [smem:$0x0];
	_ =	sdelay $0x2  }
0x30: {  	s31 =	sshll.u32 s1, $0xD;
	s1 =	sshrl.u32 s1, $0x2  }
0x31: {  	s3 =	sand.u32 $0x4000, s31;
	s1 =	sadd.s32 s1, s30  }
0x32: {  	s0 =	sor.u32 s3, s0;
	s1 =	sshll.u32 s1, $0x11  }
0x33: {  	s0 =	sor.u32 s1, s0  }
0x34: {  	s0 =	sadd.s32 $0x8F2B, s0  }
0x35: {  	[sflag:s0] =	ssyncadd.remote.s32 $0x1  }
0x36: {  	_ =	sfence.sel $0xFFFF  }
0x37: {  	[dreg:$0x0] =	wrdreg $0xFFFFFFFF;
	(pc) =	sbr.abs _section_cstart, $3  }
0x38: {  	[dreg:$0x1] =	wrdreg $0xFFFFFFFF  }
0x39: {  	_ =	task.clear_ibuf [dreg:s7], $0x2FFFF;
	_ =	strace $0x9FFFFFFF  }
0x3a: {  	(tm) =	ssettm $0x7FFFFFFF  }
0x3b: {  	_ =	shalt  }
tec
execute0_lowered:
.L_overlay_start_1:
0x0: {  	(tag) =	ssettag $0x1  }
0x1: {  	s0 =	srdreg.scid  }
0x2: {  	s1 =	sshll.u32 s0, $0x4  }
0x3: {  	s2 =	rddreg [dreg:$0x0];
	s0 =	stileid.u32;
	s1 =	sand.u32 $0x10, s1  }
0x4: {  	s4 =	rddreg [dreg:$0x1];
	s7 =	simm.s32 $0x1;
	s1 =	sor.u32 s0, s1  }
0x5: {  	s8 =	simm.s32 $0x2;
	s11 =	simm.s32 $0x0;
	s3 =	sshll.u32 s1, $0x7  }
0x6: {  	s10 =	simm.s32 $0x0;
	s4 =	sadd.s32 $0x139E00, s4;
	s6 =	ssub.s32 $0x27100, s3  }
.Ltmp0:
0x7: {  	s1 =	rddreg [dreg:$0x2];
	s5 =	sand.u32 $0xF80, s6;
	(pc) =	sbr.rel .LBB1_1-.Ltmp0, $4  }
0x8: {  	_ =	strace $0x80000047;
	s9 =	smov.u32 s3;
	p0 =	sne.s32 s5, $0x0  }
0x9: {  	s6 =	sshrl.u32 s6, $0xC;
	s5 =	simm.s32 $0x1;
	s7 =	simm.s32 @!p0 $0x0  }
0xa: {  	[sflag:s5] =	ssyncpa.u1 $0x0;
	p0 =	por $0x0, $0x0;
	s6 =	sadd.s32 s7, s6  }
0xb: {  	[sflag:s8] =	ssyncpa.u1 $0x0;
	s8 =	simm.s32 $0x138800;
	s7 =	sadd.s32 $0x1, s6  }
.LBB1_4:
0xc: {  	v5 =	vld [tilespmem:s15+$0xFFFFFFD0];
	[tilespmem:s14+$0x2040 ss:$0x81] =	vst.msk $0xffff, v3;
	s17 =	sshll.u32 s11, $0x3  }
0xd: {  	v58 =	vld [tilespmem:s15+$0xFFFFFFE0];
	[tilespmem:s14+$0x2850 ss:$0x81] =	vst.msk $0xffff, v4;
	s25 =	sand.u32 $0x7F, s11;
	s17 =	sand.u32 $0xFFFFFC00, s17  }
0xe: {  	s16 =	sshra.s32 s16, $0x2;
	v59 =	vld [tilespmem:s15+$0xFFFFFFF0];
	[tilespmem:s14+$0x3060 ss:$0x81] =	vst.msk $0xffff, v2;
	s11 =	sor.u32 s25, s17  }
0xf: {  	v60 =	vld [tilespmem:s15+$0x0];
	[tilespmem:s14+$0x0 ss:$0x81] =	vst.msk $0xffff, v0;
	s13 =	sadd.s32 s16, s13;
	s26 =	smulhi.u32 $0xD1B71759, s11  }
0x10: {  	v61 =	vld [tilespmem:s15+$0x10];
	[tilespmem:s13+$0x3870 ss:$0x81] =	vst.msk $0xffff, v1  }
0x11: {  	v62 =	vld [tilespmem:s15+$0x20];
	s27 =	smulhi.u32 $0xD1B71759, s17;
	[tilespmem:s13+$0x810 ss:$0x81] =	vst.msk $0xffff, v5;
	s14 =	sshrl.u32 s26, $0x11  }
0x12: {  	v63 =	vld [tilespmem:s15+$0xFFFFFFC0];
	[tilespmem:s13+$0x1020 ss:$0x81] =	vst.msk $0xffff, v58;
	s14 =	smul.u32 $0x27100, s14  }
0x13: {  	s28 =	sshrl.u32 s27, $0x11;
	[tilespmem:s13+$0x1830 ss:$0x81] =	vst.msk $0xffff, v59  }
0x14: {  	[tilespmem:s13+$0x2040 ss:$0x81] =	vst.msk $0xffff, v60;
	s29 =	sand.u32 $0x7F, s28;
	s11 =	ssub.s32 s11, s14  }
0x15: {  	[tilespmem:s13+$0x2850 ss:$0x81] =	vst.msk $0xffff, v61;
	s14 =	smul.u32 $0x4E20, s29;
	s30 =	sshrl.u32 s11, $0x3;
	s11 =	sand.u32 $0x7, s11  }
0x16: {  	[tilespmem:s13+$0x3060 ss:$0x81] =	vst.msk $0xffff, v62;
	s15 =	sadd.s32 s4, s30;
	s11 =	sshll.u32 s11, $0x12  }
0x17: {  	[tilespmem:s13+$0x0 ss:$0x81] =	vst.msk $0xffff, v63;
	s31 =	sadd.s32 s14, s15;
	s11 =	sor.u32 $0x400, s11  }
0x18: {  	[hbm4b:s31+s11] =	stream.strided.scatter [tilespmem:s12], [sflag:$0x2], $0x4000, s8, s11, $0x20;
	[tilespmem:$0x10100] =	vst v63  }
.LBB1_5:
0x19: {  	s13 =	sadd.s32 $0x1000, s9  }
0x1a: {  	p2 =	sgt.s32 s13, $0x270FF  }
0x1b: {  	s13 =	smov.u32 @p2 s3;
	p2 =	sne.s32 s10, s7  }
.Ltmp1:
0x1c: {  	p1 =	slt.u32 s10, $0x2;
	(pc) =	sbr.rel @!p2 .LBB1_6-.Ltmp1, $4  }
0x1d: {  	s12 =	simm.s32 @!p1 $0x2  }
0x1e: {  	s14 =	sadd.s32 $0x1, s10;
	_ =	swait.ge @!p1 [sflag:s12], $0x4000  }
0x1f: {  	s11 =	smov.u32 s9;
	p0 =	por !p0, !p0;
	[sflag:s12] =	ssyncset.done @!p1 $0x0  }
0x20: {  	s10 =	smov.u32 s14;
	s9 =	smov.u32 s13;
	[sflag:s12] =	ssyncadd.s32 @!p1 $0xFFFFC000  }
.LBB1_1:
0x21: {  	p1 =	sge.u32 s10, s6  }
0x22: {  	s12 =	sand.u32 @!p1 $0x1FFFFFF, s9  }
0x23: {  	s13 =	smulhi.u32 @!p1 $0x1A36E2F, s12;
	_ =	sdelay $0x1  }
0x24: {  	s13 =	sshrl.u32 @!p1 s13, $0xA  }
0x25: {  	s13 =	smul.u32 @!p1 $0x27100, s13;
	_ =	sdelay $0x1  }
0x26: {  	s14 =	sxor.u32 @!p1 $0xFFFFFFFF, s10;
	s12 =	ssub.s32 @!p1 s12, s13  }
0x27: {  	s31 =	sadd.s32 $0xFFFFFFFF, s10;
	s13 =	sshll.u32 @!p1 s14, $0xE;
	s12 =	sshll.u32 @!p1 s12, $0x4  }
0x28: {  	s14 =	simm.s32 @!p1 $0x0;
	s13 =	sand.u32 @!p1 $0x4000, s13;
	s12 =	sadd.s32 @!p1 s2, s12  }
0x29: {  	[tilespmem:s13], [sflag:$0x1] =	stream.linear.gather @!p1 [hbm4b:s12+s14], $0x4000, $0x38;
	[tilespmem:$0x10100] =	vst v63  }
0x2a: {  	p1 =	sge.u32 s31, s6  }
.Ltmp2:
0x2b: {  	_ = 	snop;
	(pc) =	sbr.rel @p1 .LBB1_5-.Ltmp2, $1  }
0x2c: {  	_ =	sdelay $0x3  }
0x2d: {  	s12 =	simm.s32 $0x1  }
0x2e: {  	_ =	swait.ge [sflag:s5], $0x4000;
	s12 =	simm.s32 @!p0 $0x0  }
0x2f: {  	[sflag:s5] =	ssyncset.done $0x0;
	s13 =	sshll.u32 s12, $0xE  }
0x30: {  	[sflag:s5] =	ssyncadd.s32 $0xFFFFC000;
	s15 =	sor.u32 $0x40, s13  }
0x31: {  	s12 =	smul.u32 $0x10200, s12;
	v0 =	vld [tilespmem:s15+$0x30]  }
0x32: {  	v1 =	vld [tilespmem:s15+$0xFFFFFFD0]  }
0x33: {  	s12 =	sshrl.u32 s12, $0x2;
	v5 =	vld [tilespmem:s15+$0xFFFFFFE0]  }
0x34: {  	v6 =	vld [tilespmem:s15+$0xFFFFFFF0];
	s13 =	sor.u32 $0x8000, s12  }
0x35: {  	s31 =	sand.u32 $0x1, s10;
	v3 =	vld [tilespmem:s15+$0x0];
	s14 =	sadd.s32 $0x0, s13  }
0x36: {  	v4 =	vld [tilespmem:s15+$0x10];
	s12 =	smul.u32 $0x10200, s31;
	[tilespmem:s14+$0x3870 ss:$0x81] =	vst.msk $0xffff, v0  }
0x37: {  	v2 =	vld [tilespmem:s15+$0x20];
	[tilespmem:s14+$0x810 ss:$0x81] =	vst.msk $0xffff, v1  }
0x38: {  	s12 =	sshrl.u32 s12, $0x2;
	v0 =	vld [tilespmem:s15+$0xFFFFFFC0];
	[tilespmem:s14+$0x1020 ss:$0x81] =	vst.msk $0xffff, v5;
	s15 =	sadd.s32 $0x80, s15  }
0x39: {  	s16 =	simm.s32 $0x4;
	s17 =	simm.s32 $0x8;
	s12 =	sor.u32 $0x8000, s12;
	[tilespmem:s14+$0x1830 ss:$0x81] =	vst.msk $0xffff, v6;
	v1 =	vld [tilespmem:s15+$0x30]  }
.LBB1_3:
0x3a: {  	p1 =	sne.s32 s17, $0x1FC;
	v5 =	vld [tilespmem:s15+$0xFFFFFFD0];
	[tilespmem:s14+$0x2040 ss:$0x81] =	vst.msk $0xffff, v3  }
0x3b: {  	v6 =	vld [tilespmem:s15+$0xFFFFFFE0];
	[tilespmem:s14+$0x2850 ss:$0x81] =	vst.msk $0xffff, v4  }
0x3c: {  	s18 =	sshra.s32 s16, $0x2;
	s16 =	smov.u32 s17;
	v7 =	vld [tilespmem:s15+$0xFFFFFFF0];
	[tilespmem:s14+$0x3060 ss:$0x81] =	vst.msk $0xffff, v2  }
.Ltmp3:
0x3d: {  	v3 =	vld [tilespmem:s15+$0x0];
	[tilespmem:s14+$0x0 ss:$0x81] =	vst.msk $0xffff, v0;
	s14 =	sadd.s32 s18, s13;
	(pc) =	sbr.rel @p1 .LBB1_3-.Ltmp3, $4  }
0x3e: {  	v4 =	vld [tilespmem:s15+$0x10];
	[tilespmem:s14+$0x3870 ss:$0x81] =	vst.msk $0xffff, v1  }
0x3f: {  	[tilespmem:s14+$0x810 ss:$0x81] =	vst.msk $0xffff, v5;
	v2 =	vld [tilespmem:s15+$0x20]  }
0x40: {  	v0 =	vld [tilespmem:s15+$0xFFFFFFC0];
	[tilespmem:s14+$0x1020 ss:$0x81] =	vst.msk $0xffff, v6;
	s15 =	sadd.s32 $0x80, s15  }
0x41: {  	s17 =	sadd.s32 $0x4, s17;
	v1 =	vld [tilespmem:s15+$0x30];
	[tilespmem:s14+$0x1830 ss:$0x81] =	vst.msk $0xffff, v7  }
.Ltmp4:
0x42: {  	_ = 	snop;
	(pc) =	sbr.rel .LBB1_4-.Ltmp4, $1  }
0x43: {  	_ =	sdelay $0x3  }
.LBB1_6:
0x44: {  	_ =	sfence.sel $0x180000  }
0x45: {  	s2 =	simm.s32 $0x1;
	[bflag:$0x0] =	sbarrier.arrive $0xFFFF  }
0x46: {  	s31 =	simm.s32 $0x2;
	[sflag:s2] =	ssyncpa.u1 $0x1  }
0x47: {  	[sflag:s31] =	ssyncpa.u1 $0x1  }
0x48: {  	p0 =	sne.s32 s0, $0x0;
	_ =	strace $0x90000047  }
0x49: {  	s0 =	sadd.s32 @!p0 $0x100000, s1;
	[bflag:$0x2] =	sbarrier.arrive $0xFFFF  }
0x4a: {  	[sflag:s0] =	ssyncadd.tile.s32 @!p0 $0x1;
	_ =	shalt  }
.Lfunc_end1:
_tile_overlayer_lowered:
.L_overlay_start_2:
0x4b: {  	(tag) =	ssettag $0x2  }
0x4c: {  	s0 =	rddreg [dreg:$0x0];
	s2 =	stileid.u32  }
0x4d: {  	s1 =	rddreg [dreg:$0x1];
	p0 =	sne.s32 s2, $0x0  }
0x4e: {  	s3 =	rddreg [dreg:$0x2];
	[bflag:$0x3] =	sbarrier.arrive $0xFFFF;
	s2 =	simm.s32 @!p0 $0x1C01  }
0x4f: {  	[timem:s3], [sflag:s2] =	dma.local @!p0 [hbm:s0], s1  }
0x50: {  	s0 =	simm.s32 @!p0 $0x1  }
0x51: {  	_ =	swait.ge @!p0 [sflag:s0], s1  }
0x52: {  	s1 =	ssub.s32 @!p0 $0x0, s1;
	[sflag:s0] =	ssyncset.done @!p0 $0x0  }
0x53: {  	[sflag:s0] =	ssyncadd.s32 @!p0 s1  }
0x54: {  	[bflag:$0x3] =	sbarrier.arrive $0xFFFF  }
0x55: {  	_ =	shalt  }

// kernel: sparse-core-data-format-call.cloned.1.call-start
scs
called_computation_lowered:
.L_overlay_start_0:
0x0: {  	s1 =	sld [smem:$0x3FD9]  }
0x1: {  	s2 =	sld [smem:$0x3FFE];
	_ =	sdelay $0x1  }
0x2: {  	s3 =	srdreg.scid  }
0x3: {  	s0 =	sand.u32 $0x1, s3  }
0x4: {  	s17 =	sshll.u32 s0, $0xA;
	s1 =	sadd.s32 s2, s1  }
0x5: {  	s1 =	sadd.s32 s1, s17  }
0x6: {  	[smem:$0x3FC5] =	sst s1  }
0x7: {  	_ = 	snop  }
0x8: {  	(tm) =	ssettm $0x1  }
0x9: {  	s18 =	sld [smem:$0x3FFB];
	_ =	sdelay $0x3  }
0xa: {  	_ =	strace s18  }
0xb: {  	s1 =	sld [smem:$0x3FFC];
	_ =	sdelay $0x3  }
0xc: {  	_ =	strace s1  }
0xd: {  	s1 =	sld [smem:$0x3FFD];
	_ =	sdelay $0x3  }
0xe: {  	_ =	strace s1  }
0xf: {  	_ =	strace $0x8FFFFFFF  }
0x10: {  	s19 =	sld [smem:$0x3FDB];
	_ =	sdelay $0x1  }
0x11: {  	s20 =	simm.s32 $_scs_section_size  }
0x12: {  	s4 =	simm.s32 $_size__tile_overlayer_lowered;
	s5 =	simm.s32 $_tile_overlayer_lowered  }
0x13: {  	s23 =	simm.s32 $0x1BFF;
	s22 =	sshll.u32 s5, $0x1;
	s1 =	sadd.s32 s20, s19  }
0x14: {  	s6 =	simm.s32 $0x0;
	s21 =	sshll.u32 s4, $0x1;
	s4 =	sadd.s32 s22, s1  }
0x15: {  	[timem:s6], [sflag:s23] =	dma.local [hbm:s4], s21  }
0x16: {  	_ =	swait.ge [sflag:s23], s21  }
0x17: {  	s2 =	ssub.s32 $0x0, s21;
	[sflag:s23] =	ssyncset.done $0x0  }
0x18: {  	[sflag:s23] =	ssyncadd.s32 s2;
	_ =	sdelay $0x1  }
0x19: {  	s24 =	simm.s32 $0x1B8B  }
0x1a: {  	_ =	swait.ge [sflag:s24], $0x1  }
0x1b: {  	[sflag:s24] =	ssyncset.done $0x0  }
0x1c: {  	s26 =	simm.s32 $0x1B8E;
	s25 =	sld [smem:$0x3FFE];
	[sflag:s24] =	ssyncadd.s32 $0xFFFFFFFF  }
0x1d: {  	s27 =	simm.s32 $execute0_lowered;
	[smem:$0x3FD2] =	sst s26  }
0x1e: {  	s4 =	sshll.u32 s27, $0x1;
	_ =	strace $0x80000052;
	[dreg:$0x1] =	wrdreg $0xFFFFFFFF  }
0x1f: {  	s28 =	simm.s32 $_size_execute0_lowered;
	s1 =	sadd.s32 s1, s4;
	[dreg:$0x0] =	wrdreg $0x0  }
0x20: {  	s4 =	sshll.u32 s28, $0x1;
	[dreg:$0x2] =	wrdreg s1  }
0x21: {  	[dreg:$0x3] =	wrdreg s4  }
0x22: {  	[dreg:$0x4] =	wrdreg $0xC0  }
0x23: {  	_ =	task [dreg:s6], $0x5FFFF  }
0x24: {  	[dreg:$0x1] =	wrdreg $0xFFFFFFFF  }
0x25: {  	[dreg:$0x0] =	wrdreg $0x60  }
0x26: {  	[dreg:$0x2] =	wrdreg s25  }
0x27: {  	[dreg:$0x3] =	wrdreg $0x9  }
0x28: {  	_ =	task.clear_ibuf [dreg:s6], $0x4FFFF;
	_ =	strace $0x90000052  }
0x29: {  	s29 =	simm.s32 $0x9;
	_ =	strace $0x80000054  }
0x2a: {  	_ =	swait.ge [sflag:s29], $0x1  }
0x2b: {  	[sflag:s29] =	ssyncadd.s32 $0xFFFFFFFF  }
0x2c: {  	_ =	strace $0x90000054  }
0x2d: {  	_ =	sfence  }
0x2e: {  	s30 =	sld [smem:$0x0];
	_ =	sdelay $0x2  }
0x2f: {  	s31 =	sshll.u32 s3, $0xD;
	s3 =	sshrl.u32 s3, $0x2  }
0x30: {  	s2 =	sand.u32 $0x4000, s31;
	s1 =	sadd.s32 s3, s30  }
0x31: {  	s0 =	sor.u32 s2, s0;
	s1 =	sshll.u32 s1, $0x11  }
0x32: {  	s0 =	sor.u32 s1, s0  }
0x33: {  	s0 =	sadd.s32 $0x8F2B, s0  }
0x34: {  	[sflag:s0] =	ssyncadd.remote.s32 $0x1  }
0x35: {  	_ =	sfence.sel $0xFFFF  }
0x36: {  	[dreg:$0x0] =	wrdreg $0xFFFFFFFF;
	(pc) =	sbr.abs _section_cstart, $3  }
0x37: {  	[dreg:$0x1] =	wrdreg $0xFFFFFFFF  }
0x38: {  	_ =	task.clear_ibuf [dreg:s6], $0x2FFFF;
	_ =	strace $0x9FFFFFFF  }
0x39: {  	(tm) =	ssettm $0x7FFFFFFF  }
tec
execute0_lowered:
.L_overlay_start_1:
0x0: {  	(tag) =	ssettag $0x1  }
0x1: {  	s0 =	stileid.u32  }
0x2: {  	s1 =	srdreg.scid;
	s4 =	rddreg [dreg:$0x0]  }
0x3: {  	s7 =	simm.s32 $0x1;
	s8 =	simm.s32 $0x2;
	s15 =	simm.s32 $0x0  }
0x4: {  	s14 =	simm.s32 $0x0;
	s2 =	sshll.u32 s0, $0x5;
	s1 =	sshll.u32 s1, $0x9  }
0x5: {  	s13 =	simm.s32 $0x0;
	s11 =	simm.s32 $0x0;
	s2 =	sor.u32 s2, s1  }
0x6: {  	s12 =	simm.s32 $0x0;
	s3 =	sadd.s32 $0xFDFE00, s4;
	s2 =	sand.u32 $0x380, s2  }
0x7: {  	s4 =	sadd.s32 $0x139E00, s4;
	s1 =	rddreg [dreg:$0x1];
	s6 =	ssub.s32 $0x27100, s2  }
.Ltmp0:
0x8: {  	_ =	strace $0x80000053;
	s5 =	sand.u32 $0x380, s6;
	(pc) =	sbr.rel .LBB1_1-.Ltmp0, $4  }
0x9: {  	s9 =	smov.u32 s2;
	p0 =	sne.s32 s5, $0x0;
	s5 =	simm.s32 $0x1  }
0xa: {  	s6 =	sshrl.u32 s6, $0xA;
	s7 =	simm.s32 @!p0 $0x0;
	[sflag:s5] =	ssyncpa.u1 $0x0  }
0xb: {  	p0 =	por $0x0, $0x0;
	s6 =	sadd.s32 s7, s6;
	s7 =	sand.u32 $0x3, s0  }
0xc: {  	[sflag:s8] =	ssyncpa.u1 $0x0;
	s8 =	sadd.s32 $0x1, s6;
	s10 =	smov.u32 s7  }
.LBB1_4:
0xd: {  	s15 =	sshll.u32 s15, $0x7;
	s21 =	sshll.u32 s13, $0x3  }
0xe: {  	v5 =	vld [tilespmem:s19+$0xFFFFFFD0];
	[tilespmem:s18+$0x2040 ss:$0x81] =	vst.msk $0xffff, v4;
	s22 =	sand.u32 $0xFFFFFC00, s15;
	s21 =	sand.u32 $0xFFFFFC00, s21  }
0xf: {  	v58 =	vld [tilespmem:s19+$0xFFFFFFE0];
	[tilespmem:s18+$0x2850 ss:$0x81] =	vst.msk $0xffff, v2;
	s15 =	sand.u32 $0x380, s15;
	s21 =	sadd.s32 s21, s22  }
0x10: {  	s20 =	sshra.s32 s20, $0x2;
	v59 =	vld [tilespmem:s19+$0xFFFFFFF0];
	[tilespmem:s18+$0x3060 ss:$0x81] =	vst.msk $0xffff, v3;
	s15 =	sor.u32 s15, s21  }
0x11: {  	v60 =	vld [tilespmem:s19+$0x0];
	[tilespmem:s18+$0x0 ss:$0x81] =	vst.msk $0xffff, v0;
	s17 =	sadd.s32 s20, s17;
	s15 =	sshrl.u32 s15, $0x7  }
0x12: {  	v61 =	vld [tilespmem:s19+$0x10];
	[tilespmem:s17+$0x3870 ss:$0x81] =	vst.msk $0xffff, v1;
	s28 =	smulhi.u32 $0x1A36E2F, s15  }
0x13: {  	v62 =	vld [tilespmem:s19+$0x20];
	[tilespmem:s17+$0x810 ss:$0x81] =	vst.msk $0xffff, v5  }
0x14: {  	v63 =	vld [tilespmem:s19+$0xFFFFFFC0];
	s14 =	smul.u32 $0x271000, s14;
	[tilespmem:s17+$0x1020 ss:$0x81] =	vst.msk $0xffff, v58;
	s18 =	sshrl.u32 s28, $0xA  }
0x15: {  	[tilespmem:s17+$0x1830 ss:$0x81] =	vst.msk $0xffff, v59;
	s18 =	smul.u32 $0x27100, s18  }
0x16: {  	s29 =	sshrl.u32 s13, $0x3;
	[tilespmem:s17+$0x2040 ss:$0x81] =	vst.msk $0xffff, v60  }
0x17: {  	s30 =	sand.u32 $0xF, s29;
	s14 =	sadd.s32 s4, s14;
	[tilespmem:s17+$0x2850 ss:$0x81] =	vst.msk $0xffff, v61;
	s15 =	ssub.s32 s15, s18  }
0x18: {  	s14 =	sadd.s32 s30, s14;
	[tilespmem:s17+$0x3060 ss:$0x81] =	vst.msk $0xffff, v62;
	s15 =	sshll.u32 s15, $0x4  }
0x19: {  	s31 =	sand.u32 $0x7, s13;
	[tilespmem:s17+$0x0 ss:$0x81] =	vst.msk $0xffff, v63;
	s14 =	sadd.s32 s15, s14  }
0x1a: {  	[hbm4b:s14+s31] =	stream.linear.scatter [tilespmem:s16], [sflag:$0x2], $0x4000, $0x20;
	[tilespmem:$0x10100] =	vst v63  }
.LBB1_5:
0x1b: {  	s16 =	sadd.s32 $0x400, s9  }
0x1c: {  	s13 =	sadd.s32 $0x4, s10;
	s17 =	smov.u32 s10;
	p2 =	sgt.s32 s16, $0x270FF  }
0x1d: {  	s17 =	smov.u32 @p2 s13  }
0x1e: {  	s19 =	smov.u32 s11;
	s13 =	sadd.s32 $0x80, s11;
	p3 =	sgt.s32 s17, $0x3  }
0x1f: {  	s19 =	smov.u32 @p3 s13  }
0x20: {  	s16 =	smov.u32 @p2 s2;
	p2 =	sgt.s32 s19, $0x7F  }
0x21: {  	p1 =	slt.u32 s12, $0x2;
	s19 =	simm.s32 @p2 $0x0;
	p2 =	sne.s32 s12, s8  }
.Ltmp1:
0x22: {  	s18 =	simm.s32 @!p1 $0x2;
	(pc) =	sbr.rel @!p2 .LBB1_6-.Ltmp1, $4  }
0x23: {  	s15 =	smov.u32 s9;
	s14 =	smov.u32 s10;
	_ =	swait.ge @!p1 [sflag:s18], $0x4000  }
0x24: {  	p0 =	por !p0, !p0;
	[sflag:s18] =	ssyncset.done @!p1 $0x0;
	s9 =	smov.u32 s16  }
0x25: {  	s17 =	smov.u32 @p3 s7;
	s13 =	smov.u32 s11;
	[sflag:s18] =	ssyncadd.s32 @!p1 $0xFFFFC000  }
0x26: {  	s10 =	smov.u32 s17;
	s12 =	sadd.s32 $0x1, s12;
	s11 =	smov.u32 s19  }
.LBB1_1:
0x27: {  	p1 =	sge.u32 s12, s6  }
0x28: {  	s16 =	sshrl.u32 @!p1 s10, $0x2  }
0x29: {  	s17 =	sshll.u32 @!p1 s9, $0x2;
	s16 =	smul.u32 @!p1 $0x9C400, s16  }
0x2a: {  	s18 =	sshll.u32 @!p1 s10, $0x7;
	s17 =	sand.u32 @!p1 $0xFFFFFE00, s17  }
0x2b: {  	s16 =	sadd.s32 @!p1 s16, s17;
	s17 =	sand.u32 @!p1 $0x180, s18  }
0x2c: {  	s18 =	sand.u32 @!p1 $0x7F, s9;
	s16 =	sor.u32 @!p1 s17, s16  }
0x2d: {  	s17 =	sor.u32 @!p1 s18, s16  }
0x2e: {  	s18 =	smulhi.u32 @!p1 $0xD1B71759, s17  }
0x2f: {  	s16 =	smulhi.u32 @!p1 $0xD1B71759, s16  }
0x30: {  	s18 =	sshrl.u32 @!p1 s18, $0x11  }
0x31: {  	s31 =	sadd.s32 $0xFFFFFFFF, s12;
	s16 =	sshrl.u32 @!p1 s16, $0x11;
	s18 =	smul.u32 @!p1 $0x27100, s18  }
0x32: {  	s19 =	sxor.u32 @!p1 $0xFFFFFFFF, s12;
	s20 =	smul.u32 @!p1 $0x13880, s11;
	s16 =	sand.u32 @!p1 $0x3, s16  }
0x33: {  	s19 =	sshll.u32 @!p1 s19, $0xE;
	s16 =	smul.u32 @!p1 $0x4E20, s16;
	s17 =	ssub.s32 @!p1 s17, s18  }
0x34: {  	s18 =	sand.u32 @!p1 $0x4000, s19;
	s19 =	sadd.s32 @!p1 s3, s20;
	s20 =	sand.u32 @!p1 $0x7, s17  }
0x35: {  	s17 =	sshrl.u32 @!p1 s17, $0x3;
	s16 =	sadd.s32 @!p1 s16, s19;
	s19 =	sshll.u32 @!p1 s20, $0x12  }
0x36: {  	s16 =	sadd.s32 @!p1 s17, s16;
	s17 =	sor.u32 @!p1 $0x80, s19;
	s19 =	simm.s32 @!p1 $0x9C400  }
0x37: {  	[tilespmem:s18], [sflag:$0x1] =	stream.strided.gather @!p1 [hbm4b:s16+s17], $0x4000, s19, s17, $0x38;
	[tilespmem:$0x10100] =	vst v63  }
0x38: {  	p1 =	sge.u32 s31, s6  }
.Ltmp2:
0x39: {  	_ = 	snop;
	(pc) =	sbr.rel @p1 .LBB1_5-.Ltmp2, $1  }
0x3a: {  	_ =	sdelay $0x3  }
0x3b: {  	s16 =	simm.s32 $0x1  }
0x3c: {  	_ =	swait.ge [sflag:s5], $0x4000;
	s16 =	simm.s32 @!p0 $0x0  }
0x3d: {  	[sflag:s5] =	ssyncset.done $0x0;
	s17 =	sshll.u32 s16, $0xE  }
0x3e: {  	[sflag:s5] =	ssyncadd.s32 $0xFFFFC000;
	s19 =	sor.u32 $0x40, s17  }
0x3f: {  	s16 =	smul.u32 $0x10200, s16;
	v0 =	vld [tilespmem:s19+$0x30]  }
0x40: {  	v1 =	vld [tilespmem:s19+$0xFFFFFFD0]  }
0x41: {  	s16 =	sshrl.u32 s16, $0x2;
	v5 =	vld [tilespmem:s19+$0xFFFFFFE0]  }
0x42: {  	v6 =	vld [tilespmem:s19+$0xFFFFFFF0];
	s17 =	sor.u32 $0x8000, s16  }
0x43: {  	s31 =	sand.u32 $0x1, s12;
	v4 =	vld [tilespmem:s19+$0x0];
	s18 =	sadd.s32 $0x0, s17  }
0x44: {  	v2 =	vld [tilespmem:s19+$0x10];
	s16 =	smul.u32 $0x10200, s31;
	[tilespmem:s18+$0x3870 ss:$0x81] =	vst.msk $0xffff, v0  }
0x45: {  	v3 =	vld [tilespmem:s19+$0x20];
	[tilespmem:s18+$0x810 ss:$0x81] =	vst.msk $0xffff, v1  }
0x46: {  	s16 =	sshrl.u32 s16, $0x2;
	v0 =	vld [tilespmem:s19+$0xFFFFFFC0];
	[tilespmem:s18+$0x1020 ss:$0x81] =	vst.msk $0xffff, v5;
	s19 =	sadd.s32 $0x80, s19  }
0x47: {  	s20 =	simm.s32 $0x4;
	s21 =	simm.s32 $0x8;
	s16 =	sor.u32 $0x8000, s16;
	[tilespmem:s18+$0x1830 ss:$0x81] =	vst.msk $0xffff, v6;
	v1 =	vld [tilespmem:s19+$0x30]  }
.LBB1_3:
0x48: {  	p1 =	sne.s32 s21, $0x1FC;
	v5 =	vld [tilespmem:s19+$0xFFFFFFD0];
	[tilespmem:s18+$0x2040 ss:$0x81] =	vst.msk $0xffff, v4  }
0x49: {  	v6 =	vld [tilespmem:s19+$0xFFFFFFE0];
	[tilespmem:s18+$0x2850 ss:$0x81] =	vst.msk $0xffff, v2  }
0x4a: {  	s22 =	sshra.s32 s20, $0x2;
	s20 =	smov.u32 s21;
	v7 =	vld [tilespmem:s19+$0xFFFFFFF0];
	[tilespmem:s18+$0x3060 ss:$0x81] =	vst.msk $0xffff, v3  }
.Ltmp3:
0x4b: {  	v4 =	vld [tilespmem:s19+$0x0];
	[tilespmem:s18+$0x0 ss:$0x81] =	vst.msk $0xffff, v0;
	s18 =	sadd.s32 s22, s17;
	(pc) =	sbr.rel @p1 .LBB1_3-.Ltmp3, $4  }
0x4c: {  	v2 =	vld [tilespmem:s19+$0x10];
	[tilespmem:s18+$0x3870 ss:$0x81] =	vst.msk $0xffff, v1  }
0x4d: {  	[tilespmem:s18+$0x810 ss:$0x81] =	vst.msk $0xffff, v5;
	v3 =	vld [tilespmem:s19+$0x20]  }
0x4e: {  	v0 =	vld [tilespmem:s19+$0xFFFFFFC0];
	[tilespmem:s18+$0x1020 ss:$0x81] =	vst.msk $0xffff, v6;
	s19 =	sadd.s32 $0x80, s19  }
0x4f: {  	s21 =	sadd.s32 $0x4, s21;
	v1 =	vld [tilespmem:s19+$0x30];
	[tilespmem:s18+$0x1830 ss:$0x81] =	vst.msk $0xffff, v7  }
.Ltmp4:
0x50: {  	_ = 	snop;
	(pc) =	sbr.rel .LBB1_4-.Ltmp4, $1  }
0x51: {  	_ =	sdelay $0x3  }
.LBB1_6:
0x52: {  	_ =	sfence.sel $0x180000  }
0x53: {  	s2 =	simm.s32 $0x1;
	[bflag:$0x0] =	sbarrier.arrive $0xFFFF  }
0x54: {  	s31 =	simm.s32 $0x2;
	[sflag:s2] =	ssyncpa.u1 $0x1  }
0x55: {  	[sflag:s31] =	ssyncpa.u1 $0x1  }
0x56: {  	p0 =	sne.s32 s0, $0x0;
	_ =	strace $0x90000053  }
0x57: {  	s0 =	sadd.s32 @!p0 $0x100000, s1;
	[bflag:$0x2] =	sbarrier.arrive $0xFFFF  }
0x58: {  	[sflag:s0] =	ssyncadd.tile.s32 @!p0 $0x1;
	_ =	shalt  }
.Lfunc_end1:
_tile_overlayer_lowered:
.L_overlay_start_2:
0x59: {  	(tag) =	ssettag $0x2  }
0x5a: {  	s0 =	rddreg [dreg:$0x0];
	s2 =	stileid.u32  }
0x5b: {  	s1 =	rddreg [dreg:$0x1];
	p0 =	sne.s32 s2, $0x0  }
0x5c: {  	s3 =	rddreg [dreg:$0x2];
	[bflag:$0x3] =	sbarrier.arrive $0xFFFF;
	s2 =	simm.s32 @!p0 $0x1C01  }
0x5d: {  	[timem:s3], [sflag:s2] =	dma.local @!p0 [hbm:s0], s1  }
0x5e: {  	s0 =	simm.s32 @!p0 $0x1  }
0x5f: {  	_ =	swait.ge @!p0 [sflag:s0], s1  }
0x60: {  	s1 =	ssub.s32 @!p0 $0x0, s1;
	[sflag:s0] =	ssyncset.done @!p0 $0x0  }
0x61: {  	[sflag:s0] =	ssyncadd.s32 @!p0 s1  }
0x62: {  	[bflag:$0x3] =	sbarrier.arrive $0xFFFF  }
0x63: {  	_ =	shalt  }

</sc_bundles>
